<compile_context>
chip_gen: v7x
topology: tpu7x:2x2x1
jax: 0.10.2.dev20260603
libtpu: 0.0.44.dev20260713+nightly
codegen_flags: <defaults>
</compile_context>

<pallas_src>
import functools

import jax
import jax.numpy as jnp
from jax import lax
from jax.experimental import pallas as pl
from jax.experimental.pallas import tpu as pltpu
from jax.experimental.pallas import tpu_sc as plsc

EMBED = 64
LANES = 16
NC, NS = 2, 16
NW = NC * NS
CHUNK = 128
OPITCH = CHUNK + 8
SCALE = 8.0


@functools.partial(jax.jit, static_argnums=(2,))
def _embed_sc(tokens3, table, l_total):
    nw, nchunks, chunk = tokens3.shape
    bblocks = (nw * nchunks) // l_total
    mesh = plsc.VectorSubcoreMesh(core_axis_name="c", subcore_axis_name="s")

    scratch = [pltpu.VMEM((nchunks, chunk), jnp.int32)]
    scratch += [pltpu.VMEM((chunk, EMBED), jnp.float32) for _ in range(2)]
    scratch += [pltpu.VMEM((EMBED // 8, 8, OPITCH), jnp.float32)
                for _ in range(2)]
    scratch += [pltpu.SemaphoreType.DMA for _ in range(4)]

    @functools.partial(
        pl.kernel,
        mesh=mesh,
        compiler_params=pltpu.CompilerParams(
            use_tc_tiling_on_sc=False, needs_layout_passes=False),
        out_type=jax.ShapeDtypeStruct(
            (l_total, EMBED // 8, bblocks, 8, CHUNK), jnp.float32),
        scratch_types=scratch,
    )
    def k(tok_hbm, tab_hbm, out_hbm, idx_v, g0, g1, o0, o1, gs0, gs1,
          os0, os1):
        gbuf, obuf = (g0, g1), (o0, o1)
        gsem, osem = (gs0, gs1), (os0, os1)
        wid = lax.axis_index("s") * NC + lax.axis_index("c")
        pltpu.sync_copy(tok_hbm.at[wid], idx_v)
        lanes = lax.iota(jnp.int32, LANES)
        scat_et = [lanes // 8 + kk * 2 for kk in range(EMBED // LANES)]
        scat_ei = lanes % 8
        pltpu.async_copy(tab_hbm.at[idx_v.at[0]], gbuf[0], gsem[0])

        def outer(g, carry):
            for b in range(2):
                j = g * 2 + b
                q = wid * nchunks + j
                lt = q // (bblocks * 8)
                rem = q % (bblocks * 8)
                bblk = rem // 8
                l = lt * 8 + rem % 8
                pltpu.make_async_copy(
                    tab_hbm.at[idx_v.at[j]], gbuf[b], gsem[b]).wait()

                @pl.when(j + 1 < nchunks)
                def _fire_next(b=b, j=j):
                    pltpu.async_copy(
                        tab_hbm.at[idx_v.at[j + 1]], gbuf[1 - b],
                        gsem[1 - b])

                @pl.when(g > 0)
                def _drain_out(b=b):
                    pltpu.make_async_copy(
                        obuf[b].at[:, :, pl.ds(0, CHUNK)],
                        out_hbm.at[0, :, 0], osem[b]).wait()

                def relay_body(r, c, b=b):
                    cr = jnp.full((LANES,), r, jnp.int32)
                    for kk in range(EMBED // LANES):
                        v = gbuf[b][r, pl.ds(kk * LANES, LANES)] * SCALE
                        plsc.store_scatter(
                            obuf[b], [scat_et[kk], scat_ei, cr], v)
                    return c

                lax.fori_loop(0, chunk, relay_body, 0, unroll=8)
                pltpu.async_copy(
                    obuf[b].at[:, :, pl.ds(0, CHUNK)],
                    out_hbm.at[l, :, bblk], osem[b])
            return carry

        lax.fori_loop(0, nchunks // 2, outer, 0)
        for b in range(2):
            pltpu.make_async_copy(
                obuf[b].at[:, :, pl.ds(0, CHUNK)],
                out_hbm.at[0, :, 0], osem[b]).wait()

    return k(tokens3, table)


def kernel(tokens, input_embedding_table):
    b, l = tokens.shape
    n = b * l
    tokens3 = (tokens.T.reshape(l // 8, 8, b // CHUNK, CHUNK)
               .transpose(0, 2, 1, 3)
               .reshape(NW, n // (NW * CHUNK), CHUNK).astype(jnp.int32))
    out5 = _embed_sc(tokens3, input_embedding_table, l)
    return out5.transpose(2, 4, 0, 1, 3).reshape(b, l, EMBED)

# --- scband reference (transcript-rebuilt; emitter-appended) ---
"""Pipeline reference for scband-embedder-16441134809281 (READ-ONLY COPY).

The authoritative reference and input builder live on the scoring server;
editing this copy changes nothing except your own understanding.
"""

import jax, jax.numpy as jnp
import numpy as np

VOCAB = 100000
EMBED = 64
B = 1024
L = 200


def setup_inputs(seed: int = 0) -> dict:
    key = jax.random.key(seed)
    k1, k2 = jax.random.split(key)
    tokens = jax.random.randint(k1, (B, L), 0, VOCAB)
    input_embedding_table = jax.random.normal(k2, (VOCAB, EMBED), dtype=jnp.float32) * 0.02
    return {"tokens": tokens, "input_embedding_table": input_embedding_table}


def reference(tokens, input_embedding_table):
    # Embedder.encode: gather rows then scale by sqrt(embed_dim)
    x = jnp.take(input_embedding_table, tokens, axis=0)
    x = x * jnp.sqrt(jnp.asarray(EMBED, dtype=jnp.float32)).astype(x.dtype)
    return x

if __name__ == "__main__":
    import jax
    _d = setup_inputs()
    print(jax.jit(kernel)(*tuple(_d.values())))

</pallas_src>

<mosaic_0001>
#map = affine_map<(d0, d1) -> (0, 0, 0)>
#map1 = affine_map<(d0, d1) -> (0, 0)>
#map2 = affine_map<(d0, d1) -> (0, 0, 0, 0, 0)>
module attributes {stable_mosaic.version = 14 : i64} {
  func.func @k(%arg0: i32, %arg1: i32, %arg2: memref<32x50x128xi32, #tpu.memory_space<hbm>>, %arg3: memref<100000x64xf32, #tpu.memory_space<hbm>>, %arg4: memref<200x8x8x8x128xf32, #tpu.memory_space<hbm>>, %arg5: memref<50x128xi32, #tpu.memory_space<vmem>>, %arg6: memref<128x64xf32, #tpu.memory_space<vmem>>, %arg7: memref<128x64xf32, #tpu.memory_space<vmem>>, %arg8: memref<8x8x136xf32, #tpu.memory_space<vmem>>, %arg9: memref<8x8x136xf32, #tpu.memory_space<vmem>>, %arg10: memref<!tpu.dma_semaphore, #tpu.memory_space<semaphore_mem>>, %arg11: memref<!tpu.dma_semaphore, #tpu.memory_space<semaphore_mem>>, %arg12: memref<!tpu.dma_semaphore, #tpu.memory_space<semaphore_mem>>, %arg13: memref<!tpu.dma_semaphore, #tpu.memory_space<semaphore_mem>>) attributes {dimension_semantics = [#tpu.dimension_semantics<core_parallel>, #tpu.dimension_semantics<subcore_parallel>], iteration_bounds = array<i64: 2, 16>, scalar_prefetch = 0 : i64, scratch_operands = 9 : i64, tpu.core_type = #tpu.core_type<sc_vector_subcore>, window_params = [{transform_indices = #map}, {transform_indices = #map1}, {transform_indices = #map2}]} {
    %mul3A = arith.constant 2 : i32
    %mul3A_0 = arith.muli %arg1, %mul3A : i32
    %add3A = arith.addi %mul3A_0, %arg0 : i32
    "tpu.region"() ({
      %run_scoped3A = tpu.sem_alloc : memref<!tpu.dma_semaphore, #tpu.memory_space<semaphore_mem>>
      %dma_start3A_199 = arith.constant 0 : i32
      %dma_start3A_200 = arith.constant 0 : i32
      %dma_start3A_201 = tpu.memref_slice %arg2[%add3A, %dma_start3A_199, %dma_start3A_200] : memref<32x50x128xi32, #tpu.memory_space<hbm>> -> memref<1x50x128xi32, #tpu.memory_space<hbm>>
      %dma_start3A_202 = tpu.memref_squeeze %dma_start3A_201 : memref<1x50x128xi32, #tpu.memory_space<hbm>> -> memref<50x128xi32, #tpu.memory_space<hbm>>
      %dma_start3A_203 = arith.constant 0 : i32
      %dma_start3A_204 = arith.constant 0 : i32
      %dma_start3A_205 = tpu.memref_slice %arg2[%add3A, %dma_start3A_203, %dma_start3A_204] : memref<32x50x128xi32, #tpu.memory_space<hbm>> -> memref<1x50x128xi32, #tpu.memory_space<hbm>>
      %dma_start3A_206 = tpu.memref_squeeze %dma_start3A_205 : memref<1x50x128xi32, #tpu.memory_space<hbm>> -> memref<50x128xi32, #tpu.memory_space<hbm>>
      tpu.enqueue_dma source(%dma_start3A_206 : memref<50x128xi32, #tpu.memory_space<hbm>>) target(%arg5 : memref<50x128xi32, #tpu.memory_space<vmem>>) target_semaphore(%run_scoped3A : memref<!tpu.dma_semaphore, #tpu.memory_space<semaphore_mem>>)
      %dma_wait3A_207 = arith.constant 0 : i32
      %dma_wait3A_208 = arith.constant 0 : i32
      %dma_wait3A_209 = tpu.memref_slice %arg2[%add3A, %dma_wait3A_207, %dma_wait3A_208] : memref<32x50x128xi32, #tpu.memory_space<hbm>> -> memref<1x50x128xi32, #tpu.memory_space<hbm>>
      %dma_wait3A_210 = tpu.memref_squeeze %dma_wait3A_209 : memref<1x50x128xi32, #tpu.memory_space<hbm>> -> memref<50x128xi32, #tpu.memory_space<hbm>>
      %dma_wait3A_211 = arith.constant 0 : i32
      %dma_wait3A_212 = arith.constant 0 : i32
      %dma_wait3A_213 = tpu.memref_slice %arg2[%add3A, %dma_wait3A_211, %dma_wait3A_212] : memref<32x50x128xi32, #tpu.memory_space<hbm>> -> memref<1x50x128xi32, #tpu.memory_space<hbm>>
      %dma_wait3A_214 = tpu.memref_squeeze %dma_wait3A_213 : memref<1x50x128xi32, #tpu.memory_space<hbm>> -> memref<50x128xi32, #tpu.memory_space<hbm>>
      tpu.wait_dma2 semaphore(%run_scoped3A : memref<!tpu.dma_semaphore, #tpu.memory_space<semaphore_mem>>) src(%dma_wait3A_214 : memref<50x128xi32, #tpu.memory_space<hbm>>) dst(%arg5 : memref<50x128xi32, #tpu.memory_space<vmem>>)
      tpu.yield
    }) : () -> ()
    %iota3A = tpu.iota {dimensions = array<i32: 0>} : vector<16xi32>
    %jit3A = arith.constant 8 : i32
    %div3A = vector.broadcast %jit3A : i32 to vector<16xi32>
    %div3A_1 = arith.divsi %iota3A, %div3A : vector<16xi32>
    %sign3A = arith.constant 0 : i32
    %sign3A_2 = vector.broadcast %sign3A : i32 to vector<16xi32>
    %sign3A_3 = arith.cmpi sgt, %iota3A, %sign3A_2 : vector<16xi32>
    %sign3A_4 = arith.extui %sign3A_3 : vector<16xi1> to vector<16xi32>
    %sign3A_5 = arith.constant 0 : i32
    %sign3A_6 = vector.broadcast %sign3A_5 : i32 to vector<16xi32>
    %sign3A_7 = arith.cmpi slt, %iota3A, %sign3A_6 : vector<16xi32>
    %sign3A_8 = arith.extui %sign3A_7 : vector<16xi1> to vector<16xi32>
    %sign3A_9 = arith.subi %sign3A_4, %sign3A_8 : vector<16xi32>
    %sign3A_10 = arith.constant 0 : i32
    %sign3A_11 = arith.cmpi sgt, %jit3A, %sign3A_10 : i32
    %sign3A_12 = arith.extui %sign3A_11 : i1 to i32
    %sign3A_13 = arith.constant 0 : i32
    %sign3A_14 = arith.cmpi slt, %jit3A, %sign3A_13 : i32
    %sign3A_15 = arith.extui %sign3A_14 : i1 to i32
    %sign3A_16 = arith.subi %sign3A_12, %sign3A_15 : i32
    %ne3A = vector.broadcast %sign3A_16 : i32 to vector<16xi32>
    %ne3A_17 = arith.cmpi ne, %sign3A_9, %ne3A : vector<16xi32>
    %rem3A = vector.broadcast %jit3A : i32 to vector<16xi32>
    %rem3A_18 = arith.remsi %iota3A, %rem3A : vector<16xi32>
    %ne3A_19 = arith.constant 0 : i32
    %ne3A_20 = vector.broadcast %ne3A_19 : i32 to vector<16xi32>
    %ne3A_21 = arith.cmpi ne, %rem3A_18, %ne3A_20 : vector<16xi32>
    %and3A = arith.andi %ne3A_17, %ne3A_21 : vector<16xi1>
    %sub3A = arith.constant 1 : i32
    %sub3A_22 = vector.broadcast %sub3A : i32 to vector<16xi32>
    %sub3A_23 = arith.subi %div3A_1, %sub3A_22 : vector<16xi32>
    %select_n3A = arith.select %and3A, %sub3A_23, %div3A_1 : vector<16xi1>, vector<16xi32>
    %add3A_24 = arith.constant 0 : i32
    %add3A_25 = vector.broadcast %add3A_24 : i32 to vector<16xi32>
    %add3A_26 = arith.addi %select_n3A, %add3A_25 : vector<16xi32>
    %jit3A_27 = arith.constant 8 : i32
    %div3A_28 = vector.broadcast %jit3A_27 : i32 to vector<16xi32>
    %div3A_29 = arith.divsi %iota3A, %div3A_28 : vector<16xi32>
    %sign3A_30 = arith.constant 0 : i32
    %sign3A_31 = vector.broadcast %sign3A_30 : i32 to vector<16xi32>
    %sign3A_32 = arith.cmpi sgt, %iota3A, %sign3A_31 : vector<16xi32>
    %sign3A_33 = arith.extui %sign3A_32 : vector<16xi1> to vector<16xi32>
    %sign3A_34 = arith.constant 0 : i32
    %sign3A_35 = vector.broadcast %sign3A_34 : i32 to vector<16xi32>
    %sign3A_36 = arith.cmpi slt, %iota3A, %sign3A_35 : vector<16xi32>
    %sign3A_37 = arith.extui %sign3A_36 : vector<16xi1> to vector<16xi32>
    %sign3A_38 = arith.subi %sign3A_33, %sign3A_37 : vector<16xi32>
    %sign3A_39 = arith.constant 0 : i32
    %sign3A_40 = arith.cmpi sgt, %jit3A_27, %sign3A_39 : i32
    %sign3A_41 = arith.extui %sign3A_40 : i1 to i32
    %sign3A_42 = arith.constant 0 : i32
    %sign3A_43 = arith.cmpi slt, %jit3A_27, %sign3A_42 : i32
    %sign3A_44 = arith.extui %sign3A_43 : i1 to i32
    %sign3A_45 = arith.subi %sign3A_41, %sign3A_44 : i32
    %ne3A_46 = vector.broadcast %sign3A_45 : i32 to vector<16xi32>
    %ne3A_47 = arith.cmpi ne, %sign3A_38, %ne3A_46 : vector<16xi32>
    %rem3A_48 = vector.broadcast %jit3A_27 : i32 to vector<16xi32>
    %rem3A_49 = arith.remsi %iota3A, %rem3A_48 : vector<16xi32>
    %ne3A_50 = arith.constant 0 : i32
    %ne3A_51 = vector.broadcast %ne3A_50 : i32 to vector<16xi32>
    %ne3A_52 = arith.cmpi ne, %rem3A_49, %ne3A_51 : vector<16xi32>
    %and3A_53 = arith.andi %ne3A_47, %ne3A_52 : vector<16xi1>
    %sub3A_54 = arith.constant 1 : i32
    %sub3A_55 = vector.broadcast %sub3A_54 : i32 to vector<16xi32>
    %sub3A_56 = arith.subi %div3A_29, %sub3A_55 : vector<16xi32>
    %select_n3A_57 = arith.select %and3A_53, %sub3A_56, %div3A_29 : vector<16xi1>, vector<16xi32>
    %add3A_58 = arith.constant 2 : i32
    %add3A_59 = vector.broadcast %add3A_58 : i32 to vector<16xi32>
    %add3A_60 = arith.addi %select_n3A_57, %add3A_59 : vector<16xi32>
    %jit3A_61 = arith.constant 8 : i32
    %div3A_62 = vector.broadcast %jit3A_61 : i32 to vector<16xi32>
    %div3A_63 = arith.divsi %iota3A, %div3A_62 : vector<16xi32>
    %sign3A_64 = arith.constant 0 : i32
    %sign3A_65 = vector.broadcast %sign3A_64 : i32 to vector<16xi32>
    %sign3A_66 = arith.cmpi sgt, %iota3A, %sign3A_65 : vector<16xi32>
    %sign3A_67 = arith.extui %sign3A_66 : vector<16xi1> to vector<16xi32>
    %sign3A_68 = arith.constant 0 : i32
    %sign3A_69 = vector.broadcast %sign3A_68 : i32 to vector<16xi32>
    %sign3A_70 = arith.cmpi slt, %iota3A, %sign3A_69 : vector<16xi32>
    %sign3A_71 = arith.extui %sign3A_70 : vector<16xi1> to vector<16xi32>
    %sign3A_72 = arith.subi %sign3A_67, %sign3A_71 : vector<16xi32>
    %sign3A_73 = arith.constant 0 : i32
    %sign3A_74 = arith.cmpi sgt, %jit3A_61, %sign3A_73 : i32
    %sign3A_75 = arith.extui %sign3A_74 : i1 to i32
    %sign3A_76 = arith.constant 0 : i32
    %sign3A_77 = arith.cmpi slt, %jit3A_61, %sign3A_76 : i32
    %sign3A_78 = arith.extui %sign3A_77 : i1 to i32
    %sign3A_79 = arith.subi %sign3A_75, %sign3A_78 : i32
    %ne3A_80 = vector.broadcast %sign3A_79 : i32 to vector<16xi32>
    %ne3A_81 = arith.cmpi ne, %sign3A_72, %ne3A_80 : vector<16xi32>
    %rem3A_82 = vector.broadcast %jit3A_61 : i32 to vector<16xi32>
    %rem3A_83 = arith.remsi %iota3A, %rem3A_82 : vector<16xi32>
    %ne3A_84 = arith.constant 0 : i32
    %ne3A_85 = vector.broadcast %ne3A_84 : i32 to vector<16xi32>
    %ne3A_86 = arith.cmpi ne, %rem3A_83, %ne3A_85 : vector<16xi32>
    %and3A_87 = arith.andi %ne3A_81, %ne3A_86 : vector<16xi1>
    %sub3A_88 = arith.constant 1 : i32
    %sub3A_89 = vector.broadcast %sub3A_88 : i32 to vector<16xi32>
    %sub3A_90 = arith.subi %div3A_63, %sub3A_89 : vector<16xi32>
    %select_n3A_91 = arith.select %and3A_87, %sub3A_90, %div3A_63 : vector<16xi1>, vector<16xi32>
    %add3A_92 = arith.constant 4 : i32
    %add3A_93 = vector.broadcast %add3A_92 : i32 to vector<16xi32>
    %add3A_94 = arith.addi %select_n3A_91, %add3A_93 : vector<16xi32>
    %jit3A_95 = arith.constant 8 : i32
    %div3A_96 = vector.broadcast %jit3A_95 : i32 to vector<16xi32>
    %div3A_97 = arith.divsi %iota3A, %div3A_96 : vector<16xi32>
    %sign3A_98 = arith.constant 0 : i32
    %sign3A_99 = vector.broadcast %sign3A_98 : i32 to vector<16xi32>
    %sign3A_100 = arith.cmpi sgt, %iota3A, %sign3A_99 : vector<16xi32>
    %sign3A_101 = arith.extui %sign3A_100 : vector<16xi1> to vector<16xi32>
    %sign3A_102 = arith.constant 0 : i32
    %sign3A_103 = vector.broadcast %sign3A_102 : i32 to vector<16xi32>
    %sign3A_104 = arith.cmpi slt, %iota3A, %sign3A_103 : vector<16xi32>
    %sign3A_105 = arith.extui %sign3A_104 : vector<16xi1> to vector<16xi32>
    %sign3A_106 = arith.subi %sign3A_101, %sign3A_105 : vector<16xi32>
    %sign3A_107 = arith.constant 0 : i32
    %sign3A_108 = arith.cmpi sgt, %jit3A_95, %sign3A_107 : i32
    %sign3A_109 = arith.extui %sign3A_108 : i1 to i32
    %sign3A_110 = arith.constant 0 : i32
    %sign3A_111 = arith.cmpi slt, %jit3A_95, %sign3A_110 : i32
    %sign3A_112 = arith.extui %sign3A_111 : i1 to i32
    %sign3A_113 = arith.subi %sign3A_109, %sign3A_112 : i32
    %ne3A_114 = vector.broadcast %sign3A_113 : i32 to vector<16xi32>
    %ne3A_115 = arith.cmpi ne, %sign3A_106, %ne3A_114 : vector<16xi32>
    %rem3A_116 = vector.broadcast %jit3A_95 : i32 to vector<16xi32>
    %rem3A_117 = arith.remsi %iota3A, %rem3A_116 : vector<16xi32>
    %ne3A_118 = arith.constant 0 : i32
    %ne3A_119 = vector.broadcast %ne3A_118 : i32 to vector<16xi32>
    %ne3A_120 = arith.cmpi ne, %rem3A_117, %ne3A_119 : vector<16xi32>
    %and3A_121 = arith.andi %ne3A_115, %ne3A_120 : vector<16xi1>
    %sub3A_122 = arith.constant 1 : i32
    %sub3A_123 = vector.broadcast %sub3A_122 : i32 to vector<16xi32>
    %sub3A_124 = arith.subi %div3A_97, %sub3A_123 : vector<16xi32>
    %select_n3A_125 = arith.select %and3A_121, %sub3A_124, %div3A_97 : vector<16xi1>, vector<16xi32>
    %add3A_126 = arith.constant 6 : i32
    %add3A_127 = vector.broadcast %add3A_126 : i32 to vector<16xi32>
    %add3A_128 = arith.addi %select_n3A_125, %add3A_127 : vector<16xi32>
    %jit3A_129 = arith.constant 8 : i32
    %eq3A = arith.constant 0 : i32
    %eq3A_130 = arith.cmpi eq, %jit3A_129, %eq3A : i32
    %jit3A_131 = arith.constant 1 : i32
    %select_n3A_132 = arith.select %eq3A_130, %jit3A_131, %jit3A_129 : i32
    %rem3A_133 = vector.broadcast %select_n3A_132 : i32 to vector<16xi32>
    %rem3A_134 = arith.remsi %iota3A, %rem3A_133 : vector<16xi32>
    %ne3A_135 = arith.constant 0 : i32
    %ne3A_136 = vector.broadcast %ne3A_135 : i32 to vector<16xi32>
    %ne3A_137 = arith.cmpi ne, %rem3A_134, %ne3A_136 : vector<16xi32>
    %lt3A = arith.constant 0 : i32
    %lt3A_138 = vector.broadcast %lt3A : i32 to vector<16xi32>
    %lt3A_139 = arith.cmpi slt, %rem3A_134, %lt3A_138 : vector<16xi32>
    %lt3A_140 = arith.constant 0 : i32
    %lt3A_141 = arith.cmpi slt, %select_n3A_132, %lt3A_140 : i32
    %ne3A_142 = vector.broadcast %lt3A_141 : i1 to vector<16xi1>
    %ne3A_143 = vector.broadcast %ne3A_142 : vector<16xi1> to vector<16xi1>
    %ne3A_144 = arith.xori %lt3A_139, %ne3A_143 : vector<16xi1>
    %and3A_145 = arith.andi %ne3A_144, %ne3A_137 : vector<16xi1>
    %add3A_146 = vector.broadcast %select_n3A_132 : i32 to vector<16xi32>
    %add3A_147 = arith.addi %rem3A_134, %add3A_146 : vector<16xi32>
    %select_n3A_148 = arith.select %and3A_145, %add3A_147, %rem3A_134 : vector<16xi1>, vector<16xi32>
    %dma_start3A = arith.constant 0 : i32
    %dma_start3A_149 = arith.constant 0 : i32
    %dma_start3A_150 = tpu.memref_slice %arg5[%dma_start3A, %dma_start3A_149] : memref<50x128xi32, #tpu.memory_space<vmem>> -> memref<1x128xi32, #tpu.memory_space<vmem>>
    %dma_start3A_151 = tpu.memref_squeeze %dma_start3A_150 : memref<1x128xi32, #tpu.memory_space<vmem>> -> memref<128xi32, #tpu.memory_space<vmem>>
    %dma_start3A_152 = arith.constant 0 : i32
    %dma_start3A_153 = arith.constant 0 : i32
    %dma_start3A_154 = tpu.memref_slice %arg3[%dma_start3A_152, %dma_start3A_153] : memref<100000x64xf32, #tpu.memory_space<hbm>> -> memref<100000x64xf32, #tpu.memory_space<hbm>>
    tpu.enqueue_indirect_dma source(%dma_start3A_154 : memref<100000x64xf32, #tpu.memory_space<hbm>>) target(%arg6 : memref<128x64xf32, #tpu.memory_space<vmem>>) offsets(%dma_start3A_151 : memref<128xi32, #tpu.memory_space<vmem>>) semaphore(%arg10 : memref<!tpu.dma_semaphore, #tpu.memory_space<semaphore_mem>>)
    %scan3A = arith.constant 0 : i32
    %scan3A_155 = arith.constant 0 : i32
    %scan3A_156 = arith.constant 25 : i32
    %scan3A_157 = arith.addi %scan3A_155, %scan3A_156 : i32
    %scan3A_158 = arith.constant 1 : i32
    scf.for %scan3A_199 = %scan3A_155 to %scan3A_157 step %scan3A_158  : i32 {
      %mul3A_200 = arith.constant 2 : i32
      %mul3A_201 = arith.muli %scan3A_199, %mul3A_200 : i32
      %add3A_202 = arith.constant 0 : i32
      %add3A_203 = arith.addi %mul3A_201, %add3A_202 : i32
      %mul3A_204 = arith.constant 50 : i32
      %mul3A_205 = arith.muli %add3A, %mul3A_204 : i32
      %add3A_206 = arith.addi %mul3A_205, %add3A_203 : i32
      %jit3A_207 = arith.constant 64 : i32
      %div3A_208 = arith.divsi %add3A_206, %jit3A_207 : i32
      %sign3A_209 = arith.constant 0 : i32
      %sign3A_210 = arith.cmpi sgt, %add3A_206, %sign3A_209 : i32
      %sign3A_211 = arith.extui %sign3A_210 : i1 to i32
      %sign3A_212 = arith.constant 0 : i32
      %sign3A_213 = arith.cmpi slt, %add3A_206, %sign3A_212 : i32
      %sign3A_214 = arith.extui %sign3A_213 : i1 to i32
      %sign3A_215 = arith.subi %sign3A_211, %sign3A_214 : i32
      %sign3A_216 = arith.constant 0 : i32
      %sign3A_217 = arith.cmpi sgt, %jit3A_207, %sign3A_216 : i32
      %sign3A_218 = arith.extui %sign3A_217 : i1 to i32
      %sign3A_219 = arith.constant 0 : i32
      %sign3A_220 = arith.cmpi slt, %jit3A_207, %sign3A_219 : i32
      %sign3A_221 = arith.extui %sign3A_220 : i1 to i32
      %sign3A_222 = arith.subi %sign3A_218, %sign3A_221 : i32
      %ne3A_223 = arith.cmpi ne, %sign3A_215, %sign3A_222 : i32
      %rem3A_224 = arith.remsi %add3A_206, %jit3A_207 : i32
      %ne3A_225 = arith.constant 0 : i32
      %ne3A_226 = arith.cmpi ne, %rem3A_224, %ne3A_225 : i32
      %and3A_227 = arith.andi %ne3A_223, %ne3A_226 : i1
      %sub3A_228 = arith.constant 1 : i32
      %sub3A_229 = arith.subi %div3A_208, %sub3A_228 : i32
      %select_n3A_230 = arith.select %and3A_227, %sub3A_229, %div3A_208 : i32
      %jit3A_231 = arith.constant 64 : i32
      %eq3A_232 = arith.constant 0 : i32
      %eq3A_233 = arith.cmpi eq, %jit3A_231, %eq3A_232 : i32
      %jit3A_234 = arith.constant 1 : i32
      %select_n3A_235 = arith.select %eq3A_233, %jit3A_234, %jit3A_231 : i32
      %rem3A_236 = arith.remsi %add3A_206, %select_n3A_235 : i32
      %ne3A_237 = arith.constant 0 : i32
      %ne3A_238 = arith.cmpi ne, %rem3A_236, %ne3A_237 : i32
      %lt3A_239 = arith.constant 0 : i32
      %lt3A_240 = arith.cmpi slt, %rem3A_236, %lt3A_239 : i32
      %lt3A_241 = arith.constant 0 : i32
      %lt3A_242 = arith.cmpi slt, %select_n3A_235, %lt3A_241 : i32
      %ne3A_243 = arith.xori %lt3A_240, %lt3A_242 : i1
      %and3A_244 = arith.andi %ne3A_243, %ne3A_238 : i1
      %add3A_245 = arith.addi %rem3A_236, %select_n3A_235 : i32
      %select_n3A_246 = arith.select %and3A_244, %add3A_245, %rem3A_236 : i32
      %jit3A_247 = arith.constant 8 : i32
      %div3A_248 = arith.divsi %select_n3A_246, %jit3A_247 : i32
      %sign3A_249 = arith.constant 0 : i32
      %sign3A_250 = arith.cmpi sgt, %select_n3A_246, %sign3A_249 : i32
      %sign3A_251 = arith.extui %sign3A_250 : i1 to i32
      %sign3A_252 = arith.constant 0 : i32
      %sign3A_253 = arith.cmpi slt, %select_n3A_246, %sign3A_252 : i32
      %sign3A_254 = arith.extui %sign3A_253 : i1 to i32
      %sign3A_255 = arith.subi %sign3A_251, %sign3A_254 : i32
      %sign3A_256 = arith.constant 0 : i32
      %sign3A_257 = arith.cmpi sgt, %jit3A_247, %sign3A_256 : i32
      %sign3A_258 = arith.extui %sign3A_257 : i1 to i32
      %sign3A_259 = arith.constant 0 : i32
      %sign3A_260 = arith.cmpi slt, %jit3A_247, %sign3A_259 : i32
      %sign3A_261 = arith.extui %sign3A_260 : i1 to i32
      %sign3A_262 = arith.subi %sign3A_258, %sign3A_261 : i32
      %ne3A_263 = arith.cmpi ne, %sign3A_255, %sign3A_262 : i32
      %rem3A_264 = arith.remsi %select_n3A_246, %jit3A_247 : i32
      %ne3A_265 = arith.constant 0 : i32
      %ne3A_266 = arith.cmpi ne, %rem3A_264, %ne3A_265 : i32
      %and3A_267 = arith.andi %ne3A_263, %ne3A_266 : i1
      %sub3A_268 = arith.constant 1 : i32
      %sub3A_269 = arith.subi %div3A_248, %sub3A_268 : i32
      %select_n3A_270 = arith.select %and3A_267, %sub3A_269, %div3A_248 : i32
      %mul3A_271 = arith.constant 8 : i32
      %mul3A_272 = arith.muli %select_n3A_230, %mul3A_271 : i32
      %jit3A_273 = arith.constant 8 : i32
      %eq3A_274 = arith.constant 0 : i32
      %eq3A_275 = arith.cmpi eq, %jit3A_273, %eq3A_274 : i32
      %jit3A_276 = arith.constant 1 : i32
      %select_n3A_277 = arith.select %eq3A_275, %jit3A_276, %jit3A_273 : i32
      %rem3A_278 = arith.remsi %select_n3A_246, %select_n3A_277 : i32
      %ne3A_279 = arith.constant 0 : i32
      %ne3A_280 = arith.cmpi ne, %rem3A_278, %ne3A_279 : i32
      %lt3A_281 = arith.constant 0 : i32
      %lt3A_282 = arith.cmpi slt, %rem3A_278, %lt3A_281 : i32
      %lt3A_283 = arith.constant 0 : i32
      %lt3A_284 = arith.cmpi slt, %select_n3A_277, %lt3A_283 : i32
      %ne3A_285 = arith.xori %lt3A_282, %lt3A_284 : i1
      %and3A_286 = arith.andi %ne3A_285, %ne3A_280 : i1
      %add3A_287 = arith.addi %rem3A_278, %select_n3A_277 : i32
      %select_n3A_288 = arith.select %and3A_286, %add3A_287, %rem3A_278 : i32
      %add3A_289 = arith.addi %mul3A_272, %select_n3A_288 : i32
      %dma_wait3A_290 = arith.constant 0 : i32
      %dma_wait3A_291 = tpu.memref_slice %arg5[%add3A_203, %dma_wait3A_290] : memref<50x128xi32, #tpu.memory_space<vmem>> -> memref<1x128xi32, #tpu.memory_space<vmem>>
      %dma_wait3A_292 = tpu.memref_squeeze %dma_wait3A_291 : memref<1x128xi32, #tpu.memory_space<vmem>> -> memref<128xi32, #tpu.memory_space<vmem>>
      %dma_wait3A_293 = arith.constant 0 : i32
      %dma_wait3A_294 = arith.constant 0 : i32
      %dma_wait3A_295 = tpu.memref_slice %arg3[%dma_wait3A_293, %dma_wait3A_294] : memref<100000x64xf32, #tpu.memory_space<hbm>> -> memref<100000x64xf32, #tpu.memory_space<hbm>>
      tpu.wait_indirect_dma semaphore(%arg10 : memref<!tpu.dma_semaphore, #tpu.memory_space<semaphore_mem>>) src(%dma_wait3A_295 : memref<100000x64xf32, #tpu.memory_space<hbm>>) dst(%arg6 : memref<128x64xf32, #tpu.memory_space<vmem>>)
      %add3A_296 = arith.constant 1 : i32
      %add3A_297 = arith.addi %add3A_203, %add3A_296 : i32
      %lt3A_298 = arith.constant 50 : i32
      %lt3A_299 = arith.cmpi slt, %add3A_297, %lt3A_298 : i32
      %convert_element_type3A = arith.extui %lt3A_299 : i1 to i32
      %cond3A = arith.constant 0 : i32
      %cond3A_300 = arith.cmpi ne, %convert_element_type3A, %cond3A : i32
      scf.if %cond3A_300 {
        %add3A_461 = arith.constant 1 : i32
        %add3A_462 = arith.addi %add3A_203, %add3A_461 : i32
        %dma_start3A_463 = arith.constant 0 : i32
        %dma_start3A_464 = tpu.memref_slice %arg5[%add3A_462, %dma_start3A_463] : memref<50x128xi32, #tpu.memory_space<vmem>> -> memref<1x128xi32, #tpu.memory_space<vmem>>
        %dma_start3A_465 = tpu.memref_squeeze %dma_start3A_464 : memref<1x128xi32, #tpu.memory_space<vmem>> -> memref<128xi32, #tpu.memory_space<vmem>>
        %dma_start3A_466 = arith.constant 0 : i32
        %dma_start3A_467 = arith.constant 0 : i32
        %dma_start3A_468 = tpu.memref_slice %arg3[%dma_start3A_466, %dma_start3A_467] : memref<100000x64xf32, #tpu.memory_space<hbm>> -> memref<100000x64xf32, #tpu.memory_space<hbm>>
        tpu.enqueue_indirect_dma source(%dma_start3A_468 : memref<100000x64xf32, #tpu.memory_space<hbm>>) target(%arg7 : memref<128x64xf32, #tpu.memory_space<vmem>>) offsets(%dma_start3A_465 : memref<128xi32, #tpu.memory_space<vmem>>) semaphore(%arg11 : memref<!tpu.dma_semaphore, #tpu.memory_space<semaphore_mem>>)
      } else {
      }
      %gt3A = arith.constant 0 : i32
      %gt3A_301 = arith.cmpi sgt, %scan3A_199, %gt3A : i32
      %convert_element_type3A_302 = arith.extui %gt3A_301 : i1 to i32
      %cond3A_303 = arith.constant 0 : i32
      %cond3A_304 = arith.cmpi ne, %convert_element_type3A_302, %cond3A_303 : i32
      scf.if %cond3A_304 {
        %dma_wait3A_461 = arith.constant 0 : i32
        %dma_wait3A_462 = arith.constant 0 : i32
        %dma_wait3A_463 = arith.constant 0 : i32
        %dma_wait3A_464 = arith.constant 0 : i32
        %dma_wait3A_465 = arith.constant 0 : i32
        %dma_wait3A_466 = tpu.memref_slice %arg8[%dma_wait3A_463, %dma_wait3A_464, %dma_wait3A_465] : memref<8x8x136xf32, #tpu.memory_space<vmem>> -> memref<8x8x128xf32, #tpu.memory_space<vmem>>
        %dma_wait3A_467 = arith.constant 0 : i32
        %dma_wait3A_468 = arith.constant 0 : i32
        %dma_wait3A_469 = arith.constant 0 : i32
        %dma_wait3A_470 = tpu.memref_slice %arg4[%dma_wait3A_461, %dma_wait3A_467, %dma_wait3A_462, %dma_wait3A_468, %dma_wait3A_469] : memref<200x8x8x8x128xf32, #tpu.memory_space<hbm>> -> memref<1x8x1x8x128xf32, #tpu.memory_space<hbm>>
        %dma_wait3A_471 = tpu.memref_squeeze %dma_wait3A_470 : memref<1x8x1x8x128xf32, #tpu.memory_space<hbm>> -> memref<8x8x128xf32, #tpu.memory_space<hbm>>
        %dma_wait3A_472 = arith.constant 0 : i32
        %dma_wait3A_473 = arith.constant 0 : i32
        %dma_wait3A_474 = arith.constant 0 : i32
        %dma_wait3A_475 = tpu.memref_slice %arg4[%dma_wait3A_461, %dma_wait3A_472, %dma_wait3A_462, %dma_wait3A_473, %dma_wait3A_474] : memref<200x8x8x8x128xf32, #tpu.memory_space<hbm>> -> memref<1x8x1x8x128xf32, #tpu.memory_space<hbm>>
        %dma_wait3A_476 = tpu.memref_squeeze %dma_wait3A_475 : memref<1x8x1x8x128xf32, #tpu.memory_space<hbm>> -> memref<8x8x128xf32, #tpu.memory_space<hbm>>
        %dma_wait3A_477 = arith.constant 0 : i32
        %dma_wait3A_478 = arith.constant 0 : i32
        %dma_wait3A_479 = arith.constant 0 : i32
        %dma_wait3A_480 = tpu.memref_slice %arg8[%dma_wait3A_477, %dma_wait3A_478, %dma_wait3A_479] : memref<8x8x136xf32, #tpu.memory_space<vmem>> -> memref<8x8x128xf32, #tpu.memory_space<vmem>>
        tpu.wait_dma2 semaphore(%arg12 : memref<!tpu.dma_semaphore, #tpu.memory_space<semaphore_mem>>) src(%dma_wait3A_480 : memref<8x8x128xf32, #tpu.memory_space<vmem>>) dst(%dma_wait3A_476 : memref<8x8x128xf32, #tpu.memory_space<hbm>>)
      } else {
      }
      %scan3A_305 = arith.constant 0 : i32
      %scan3A_306 = arith.constant 0 : i32
      %scan3A_307 = arith.constant 128 : i32
      %scan3A_308 = arith.addi %scan3A_306, %scan3A_307 : i32
      %scan3A_309 = arith.constant 8 : i32
      scf.for %scan3A_461 = %scan3A_306 to %scan3A_308 step %scan3A_309  : i32 {
        %broadcast_in_dim3A = vector.broadcast %scan3A_461 : i32 to vector<16xi32>
        %get3A = arith.index_cast %scan3A_461 : i32 to index
        %get3A_462 = arith.constant 0 : index
        %get3A_463 = tpu.vector_load %arg6[%get3A, %get3A_462] {strides = array<i32>} : memref<128x64xf32, #tpu.memory_space<vmem>>, vector<16xf32>,
        %mul3A_464 = arith.constant 8.000000e+00 : f32
        %mul3A_465 = vector.broadcast %mul3A_464 : f32 to vector<16xf32>
        %mul3A_466 = arith.mulf %get3A_463, %mul3A_465 : vector<16xf32>
        tpu.vector_store_idx %arg8[%add3A_26, %select_n3A_148, %broadcast_in_dim3A], %mul3A_466 : memref<8x8x136xf32, #tpu.memory_space<vmem>>[vector<16xi32>, vector<16xi32>, vector<16xi32>], vector<16xf32>,
        %get3A_467 = arith.index_cast %scan3A_461 : i32 to index
        %get3A_468 = arith.constant 16 : index
        %get3A_469 = tpu.vector_load %arg6[%get3A_467, %get3A_468] {strides = array<i32>} : memref<128x64xf32, #tpu.memory_space<vmem>>, vector<16xf32>,
        %mul3A_470 = arith.constant 8.000000e+00 : f32
        %mul3A_471 = vector.broadcast %mul3A_470 : f32 to vector<16xf32>
        %mul3A_472 = arith.mulf %get3A_469, %mul3A_471 : vector<16xf32>
        tpu.vector_store_idx %arg8[%add3A_60, %select_n3A_148, %broadcast_in_dim3A], %mul3A_472 : memref<8x8x136xf32, #tpu.memory_space<vmem>>[vector<16xi32>, vector<16xi32>, vector<16xi32>], vector<16xf32>,
        %get3A_473 = arith.index_cast %scan3A_461 : i32 to index
        %get3A_474 = arith.constant 32 : index
        %get3A_475 = tpu.vector_load %arg6[%get3A_473, %get3A_474] {strides = array<i32>} : memref<128x64xf32, #tpu.memory_space<vmem>>, vector<16xf32>,
        %mul3A_476 = arith.constant 8.000000e+00 : f32
        %mul3A_477 = vector.broadcast %mul3A_476 : f32 to vector<16xf32>
        %mul3A_478 = arith.mulf %get3A_475, %mul3A_477 : vector<16xf32>
        tpu.vector_store_idx %arg8[%add3A_94, %select_n3A_148, %broadcast_in_dim3A], %mul3A_478 : memref<8x8x136xf32, #tpu.memory_space<vmem>>[vector<16xi32>, vector<16xi32>, vector<16xi32>], vector<16xf32>,
        %get3A_479 = arith.index_cast %scan3A_461 : i32 to index
        %get3A_480 = arith.constant 48 : index
        %get3A_481 = tpu.vector_load %arg6[%get3A_479, %get3A_480] {strides = array<i32>} : memref<128x64xf32, #tpu.memory_space<vmem>>, vector<16xf32>,
        %mul3A_482 = arith.constant 8.000000e+00 : f32
        %mul3A_483 = vector.broadcast %mul3A_482 : f32 to vector<16xf32>
        %mul3A_484 = arith.mulf %get3A_481, %mul3A_483 : vector<16xf32>
        tpu.vector_store_idx %arg8[%add3A_128, %select_n3A_148, %broadcast_in_dim3A], %mul3A_484 : memref<8x8x136xf32, #tpu.memory_space<vmem>>[vector<16xi32>, vector<16xi32>, vector<16xi32>], vector<16xf32>,
        %scan3A_485 = arith.constant 1 : i32
        %scan3A_486 = arith.addi %scan3A_461, %scan3A_485 : i32
        %broadcast_in_dim3A_487 = vector.broadcast %scan3A_486 : i32 to vector<16xi32>
        %get3A_488 = arith.index_cast %scan3A_486 : i32 to index
        %get3A_489 = arith.constant 0 : index
        %get3A_490 = tpu.vector_load %arg6[%get3A_488, %get3A_489] {strides = array<i32>} : memref<128x64xf32, #tpu.memory_space<vmem>>, vector<16xf32>,
        %mul3A_491 = arith.constant 8.000000e+00 : f32
        %mul3A_492 = vector.broadcast %mul3A_491 : f32 to vector<16xf32>
        %mul3A_493 = arith.mulf %get3A_490, %mul3A_492 : vector<16xf32>
        tpu.vector_store_idx %arg8[%add3A_26, %select_n3A_148, %broadcast_in_dim3A_487], %mul3A_493 : memref<8x8x136xf32, #tpu.memory_space<vmem>>[vector<16xi32>, vector<16xi32>, vector<16xi32>], vector<16xf32>,
        %get3A_494 = arith.index_cast %scan3A_486 : i32 to index
        %get3A_495 = arith.constant 16 : index
        %get3A_496 = tpu.vector_load %arg6[%get3A_494, %get3A_495] {strides = array<i32>} : memref<128x64xf32, #tpu.memory_space<vmem>>, vector<16xf32>,
        %mul3A_497 = arith.constant 8.000000e+00 : f32
        %mul3A_498 = vector.broadcast %mul3A_497 : f32 to vector<16xf32>
        %mul3A_499 = arith.mulf %get3A_496, %mul3A_498 : vector<16xf32>
        tpu.vector_store_idx %arg8[%add3A_60, %select_n3A_148, %broadcast_in_dim3A_487], %mul3A_499 : memref<8x8x136xf32, #tpu.memory_space<vmem>>[vector<16xi32>, vector<16xi32>, vector<16xi32>], vector<16xf32>,
        %get3A_500 = arith.index_cast %scan3A_486 : i32 to index
        %get3A_501 = arith.constant 32 : index
        %get3A_502 = tpu.vector_load %arg6[%get3A_500, %get3A_501] {strides = array<i32>} : memref<128x64xf32, #tpu.memory_space<vmem>>, vector<16xf32>,
        %mul3A_503 = arith.constant 8.000000e+00 : f32
        %mul3A_504 = vector.broadcast %mul3A_503 : f32 to vector<16xf32>
        %mul3A_505 = arith.mulf %get3A_502, %mul3A_504 : vector<16xf32>
        tpu.vector_store_idx %arg8[%add3A_94, %select_n3A_148, %broadcast_in_dim3A_487], %mul3A_505 : memref<8x8x136xf32, #tpu.memory_space<vmem>>[vector<16xi32>, vector<16xi32>, vector<16xi32>], vector<16xf32>,
        %get3A_506 = arith.index_cast %scan3A_486 : i32 to index
        %get3A_507 = arith.constant 48 : index
        %get3A_508 = tpu.vector_load %arg6[%get3A_506, %get3A_507] {strides = array<i32>} : memref<128x64xf32, #tpu.memory_space<vmem>>, vector<16xf32>,
        %mul3A_509 = arith.constant 8.000000e+00 : f32
        %mul3A_510 = vector.broadcast %mul3A_509 : f32 to vector<16xf32>
        %mul3A_511 = arith.mulf %get3A_508, %mul3A_510 : vector<16xf32>
        tpu.vector_store_idx %arg8[%add3A_128, %select_n3A_148, %broadcast_in_dim3A_487], %mul3A_511 : memref<8x8x136xf32, #tpu.memory_space<vmem>>[vector<16xi32>, vector<16xi32>, vector<16xi32>], vector<16xf32>,
        %scan3A_512 = arith.constant 2 : i32
        %scan3A_513 = arith.addi %scan3A_461, %scan3A_512 : i32
        %broadcast_in_dim3A_514 = vector.broadcast %scan3A_513 : i32 to vector<16xi32>
        %get3A_515 = arith.index_cast %scan3A_513 : i32 to index
        %get3A_516 = arith.constant 0 : index
        %get3A_517 = tpu.vector_load %arg6[%get3A_515, %get3A_516] {strides = array<i32>} : memref<128x64xf32, #tpu.memory_space<vmem>>, vector<16xf32>,
        %mul3A_518 = arith.constant 8.000000e+00 : f32
        %mul3A_519 = vector.broadcast %mul3A_518 : f32 to vector<16xf32>
        %mul3A_520 = arith.mulf %get3A_517, %mul3A_519 : vector<16xf32>
        tpu.vector_store_idx %arg8[%add3A_26, %select_n3A_148, %broadcast_in_dim3A_514], %mul3A_520 : memref<8x8x136xf32, #tpu.memory_space<vmem>>[vector<16xi32>, vector<16xi32>, vector<16xi32>], vector<16xf32>,
        %get3A_521 = arith.index_cast %scan3A_513 : i32 to index
        %get3A_522 = arith.constant 16 : index
        %get3A_523 = tpu.vector_load %arg6[%get3A_521, %get3A_522] {strides = array<i32>} : memref<128x64xf32, #tpu.memory_space<vmem>>, vector<16xf32>,
        %mul3A_524 = arith.constant 8.000000e+00 : f32
        %mul3A_525 = vector.broadcast %mul3A_524 : f32 to vector<16xf32>
        %mul3A_526 = arith.mulf %get3A_523, %mul3A_525 : vector<16xf32>
        tpu.vector_store_idx %arg8[%add3A_60, %select_n3A_148, %broadcast_in_dim3A_514], %mul3A_526 : memref<8x8x136xf32, #tpu.memory_space<vmem>>[vector<16xi32>, vector<16xi32>, vector<16xi32>], vector<16xf32>,
        %get3A_527 = arith.index_cast %scan3A_513 : i32 to index
        %get3A_528 = arith.constant 32 : index
        %get3A_529 = tpu.vector_load %arg6[%get3A_527, %get3A_528] {strides = array<i32>} : memref<128x64xf32, #tpu.memory_space<vmem>>, vector<16xf32>,
        %mul3A_530 = arith.constant 8.000000e+00 : f32
        %mul3A_531 = vector.broadcast %mul3A_530 : f32 to vector<16xf32>
        %mul3A_532 = arith.mulf %get3A_529, %mul3A_531 : vector<16xf32>
        tpu.vector_store_idx %arg8[%add3A_94, %select_n3A_148, %broadcast_in_dim3A_514], %mul3A_532 : memref<8x8x136xf32, #tpu.memory_space<vmem>>[vector<16xi32>, vector<16xi32>, vector<16xi32>], vector<16xf32>,
        %get3A_533 = arith.index_cast %scan3A_513 : i32 to index
        %get3A_534 = arith.constant 48 : index
        %get3A_535 = tpu.vector_load %arg6[%get3A_533, %get3A_534] {strides = array<i32>} : memref<128x64xf32, #tpu.memory_space<vmem>>, vector<16xf32>,
        %mul3A_536 = arith.constant 8.000000e+00 : f32
        %mul3A_537 = vector.broadcast %mul3A_536 : f32 to vector<16xf32>
        %mul3A_538 = arith.mulf %get3A_535, %mul3A_537 : vector<16xf32>
        tpu.vector_store_idx %arg8[%add3A_128, %select_n3A_148, %broadcast_in_dim3A_514], %mul3A_538 : memref<8x8x136xf32, #tpu.memory_space<vmem>>[vector<16xi32>, vector<16xi32>, vector<16xi32>], vector<16xf32>,
        %scan3A_539 = arith.constant 3 : i32
        %scan3A_540 = arith.addi %scan3A_461, %scan3A_539 : i32
        %broadcast_in_dim3A_541 = vector.broadcast %scan3A_540 : i32 to vector<16xi32>
        %get3A_542 = arith.index_cast %scan3A_540 : i32 to index
        %get3A_543 = arith.constant 0 : index
        %get3A_544 = tpu.vector_load %arg6[%get3A_542, %get3A_543] {strides = array<i32>} : memref<128x64xf32, #tpu.memory_space<vmem>>, vector<16xf32>,
        %mul3A_545 = arith.constant 8.000000e+00 : f32
        %mul3A_546 = vector.broadcast %mul3A_545 : f32 to vector<16xf32>
        %mul3A_547 = arith.mulf %get3A_544, %mul3A_546 : vector<16xf32>
        tpu.vector_store_idx %arg8[%add3A_26, %select_n3A_148, %broadcast_in_dim3A_541], %mul3A_547 : memref<8x8x136xf32, #tpu.memory_space<vmem>>[vector<16xi32>, vector<16xi32>, vector<16xi32>], vector<16xf32>,
        %get3A_548 = arith.index_cast %scan3A_540 : i32 to index
        %get3A_549 = arith.constant 16 : index
        %get3A_550 = tpu.vector_load %arg6[%get3A_548, %get3A_549] {strides = array<i32>} : memref<128x64xf32, #tpu.memory_space<vmem>>, vector<16xf32>,
        %mul3A_551 = arith.constant 8.000000e+00 : f32
        %mul3A_552 = vector.broadcast %mul3A_551 : f32 to vector<16xf32>
        %mul3A_553 = arith.mulf %get3A_550, %mul3A_552 : vector<16xf32>
        tpu.vector_store_idx %arg8[%add3A_60, %select_n3A_148, %broadcast_in_dim3A_541], %mul3A_553 : memref<8x8x136xf32, #tpu.memory_space<vmem>>[vector<16xi32>, vector<16xi32>, vector<16xi32>], vector<16xf32>,
        %get3A_554 = arith.index_cast %scan3A_540 : i32 to index
        %get3A_555 = arith.constant 32 : index
        %get3A_556 = tpu.vector_load %arg6[%get3A_554, %get3A_555] {strides = array<i32>} : memref<128x64xf32, #tpu.memory_space<vmem>>, vector<16xf32>,
        %mul3A_557 = arith.constant 8.000000e+00 : f32
        %mul3A_558 = vector.broadcast %mul3A_557 : f32 to vector<16xf32>
        %mul3A_559 = arith.mulf %get3A_556, %mul3A_558 : vector<16xf32>
        tpu.vector_store_idx %arg8[%add3A_94, %select_n3A_148, %broadcast_in_dim3A_541], %mul3A_559 : memref<8x8x136xf32, #tpu.memory_space<vmem>>[vector<16xi32>, vector<16xi32>, vector<16xi32>], vector<16xf32>,
        %get3A_560 = arith.index_cast %scan3A_540 : i32 to index
        %get3A_561 = arith.constant 48 : index
        %get3A_562 = tpu.vector_load %arg6[%get3A_560, %get3A_561] {strides = array<i32>} : memref<128x64xf32, #tpu.memory_space<vmem>>, vector<16xf32>,
        %mul3A_563 = arith.constant 8.000000e+00 : f32
        %mul3A_564 = vector.broadcast %mul3A_563 : f32 to vector<16xf32>
        %mul3A_565 = arith.mulf %get3A_562, %mul3A_564 : vector<16xf32>
        tpu.vector_store_idx %arg8[%add3A_128, %select_n3A_148, %broadcast_in_dim3A_541], %mul3A_565 : memref<8x8x136xf32, #tpu.memory_space<vmem>>[vector<16xi32>, vector<16xi32>, vector<16xi32>], vector<16xf32>,
        %scan3A_566 = arith.constant 4 : i32
        %scan3A_567 = arith.addi %scan3A_461, %scan3A_566 : i32
        %broadcast_in_dim3A_568 = vector.broadcast %scan3A_567 : i32 to vector<16xi32>
        %get3A_569 = arith.index_cast %scan3A_567 : i32 to index
        %get3A_570 = arith.constant 0 : index
        %get3A_571 = tpu.vector_load %arg6[%get3A_569, %get3A_570] {strides = array<i32>} : memref<128x64xf32, #tpu.memory_space<vmem>>, vector<16xf32>,
        %mul3A_572 = arith.constant 8.000000e+00 : f32
        %mul3A_573 = vector.broadcast %mul3A_572 : f32 to vector<16xf32>
        %mul3A_574 = arith.mulf %get3A_571, %mul3A_573 : vector<16xf32>
        tpu.vector_store_idx %arg8[%add3A_26, %select_n3A_148, %broadcast_in_dim3A_568], %mul3A_574 : memref<8x8x136xf32, #tpu.memory_space<vmem>>[vector<16xi32>, vector<16xi32>, vector<16xi32>], vector<16xf32>,
        %get3A_575 = arith.index_cast %scan3A_567 : i32 to index
        %get3A_576 = arith.constant 16 : index
        %get3A_577 = tpu.vector_load %arg6[%get3A_575, %get3A_576] {strides = array<i32>} : memref<128x64xf32, #tpu.memory_space<vmem>>, vector<16xf32>,
        %mul3A_578 = arith.constant 8.000000e+00 : f32
        %mul3A_579 = vector.broadcast %mul3A_578 : f32 to vector<16xf32>
        %mul3A_580 = arith.mulf %get3A_577, %mul3A_579 : vector<16xf32>
        tpu.vector_store_idx %arg8[%add3A_60, %select_n3A_148, %broadcast_in_dim3A_568], %mul3A_580 : memref<8x8x136xf32, #tpu.memory_space<vmem>>[vector<16xi32>, vector<16xi32>, vector<16xi32>], vector<16xf32>,
        %get3A_581 = arith.index_cast %scan3A_567 : i32 to index
        %get3A_582 = arith.constant 32 : index
        %get3A_583 = tpu.vector_load %arg6[%get3A_581, %get3A_582] {strides = array<i32>} : memref<128x64xf32, #tpu.memory_space<vmem>>, vector<16xf32>,
        %mul3A_584 = arith.constant 8.000000e+00 : f32
        %mul3A_585 = vector.broadcast %mul3A_584 : f32 to vector<16xf32>
        %mul3A_586 = arith.mulf %get3A_583, %mul3A_585 : vector<16xf32>
        tpu.vector_store_idx %arg8[%add3A_94, %select_n3A_148, %broadcast_in_dim3A_568], %mul3A_586 : memref<8x8x136xf32, #tpu.memory_space<vmem>>[vector<16xi32>, vector<16xi32>, vector<16xi32>], vector<16xf32>,
        %get3A_587 = arith.index_cast %scan3A_567 : i32 to index
        %get3A_588 = arith.constant 48 : index
        %get3A_589 = tpu.vector_load %arg6[%get3A_587, %get3A_588] {strides = array<i32>} : memref<128x64xf32, #tpu.memory_space<vmem>>, vector<16xf32>,
        %mul3A_590 = arith.constant 8.000000e+00 : f32
        %mul3A_591 = vector.broadcast %mul3A_590 : f32 to vector<16xf32>
        %mul3A_592 = arith.mulf %get3A_589, %mul3A_591 : vector<16xf32>
        tpu.vector_store_idx %arg8[%add3A_128, %select_n3A_148, %broadcast_in_dim3A_568], %mul3A_592 : memref<8x8x136xf32, #tpu.memory_space<vmem>>[vector<16xi32>, vector<16xi32>, vector<16xi32>], vector<16xf32>,
        %scan3A_593 = arith.constant 5 : i32
        %scan3A_594 = arith.addi %scan3A_461, %scan3A_593 : i32
        %broadcast_in_dim3A_595 = vector.broadcast %scan3A_594 : i32 to vector<16xi32>
        %get3A_596 = arith.index_cast %scan3A_594 : i32 to index
        %get3A_597 = arith.constant 0 : index
        %get3A_598 = tpu.vector_load %arg6[%get3A_596, %get3A_597] {strides = array<i32>} : memref<128x64xf32, #tpu.memory_space<vmem>>, vector<16xf32>,
        %mul3A_599 = arith.constant 8.000000e+00 : f32
        %mul3A_600 = vector.broadcast %mul3A_599 : f32 to vector<16xf32>
        %mul3A_601 = arith.mulf %get3A_598, %mul3A_600 : vector<16xf32>
        tpu.vector_store_idx %arg8[%add3A_26, %select_n3A_148, %broadcast_in_dim3A_595], %mul3A_601 : memref<8x8x136xf32, #tpu.memory_space<vmem>>[vector<16xi32>, vector<16xi32>, vector<16xi32>], vector<16xf32>,
        %get3A_602 = arith.index_cast %scan3A_594 : i32 to index
        %get3A_603 = arith.constant 16 : index
        %get3A_604 = tpu.vector_load %arg6[%get3A_602, %get3A_603] {strides = array<i32>} : memref<128x64xf32, #tpu.memory_space<vmem>>, vector<16xf32>,
        %mul3A_605 = arith.constant 8.000000e+00 : f32
        %mul3A_606 = vector.broadcast %mul3A_605 : f32 to vector<16xf32>
        %mul3A_607 = arith.mulf %get3A_604, %mul3A_606 : vector<16xf32>
        tpu.vector_store_idx %arg8[%add3A_60, %select_n3A_148, %broadcast_in_dim3A_595], %mul3A_607 : memref<8x8x136xf32, #tpu.memory_space<vmem>>[vector<16xi32>, vector<16xi32>, vector<16xi32>], vector<16xf32>,
        %get3A_608 = arith.index_cast %scan3A_594 : i32 to index
        %get3A_609 = arith.constant 32 : index
        %get3A_610 = tpu.vector_load %arg6[%get3A_608, %get3A_609] {strides = array<i32>} : memref<128x64xf32, #tpu.memory_space<vmem>>, vector<16xf32>,
        %mul3A_611 = arith.constant 8.000000e+00 : f32
        %mul3A_612 = vector.broadcast %mul3A_611 : f32 to vector<16xf32>
        %mul3A_613 = arith.mulf %get3A_610, %mul3A_612 : vector<16xf32>
        tpu.vector_store_idx %arg8[%add3A_94, %select_n3A_148, %broadcast_in_dim3A_595], %mul3A_613 : memref<8x8x136xf32, #tpu.memory_space<vmem>>[vector<16xi32>, vector<16xi32>, vector<16xi32>], vector<16xf32>,
        %get3A_614 = arith.index_cast %scan3A_594 : i32 to index
        %get3A_615 = arith.constant 48 : index
        %get3A_616 = tpu.vector_load %arg6[%get3A_614, %get3A_615] {strides = array<i32>} : memref<128x64xf32, #tpu.memory_space<vmem>>, vector<16xf32>,
        %mul3A_617 = arith.constant 8.000000e+00 : f32
        %mul3A_618 = vector.broadcast %mul3A_617 : f32 to vector<16xf32>
        %mul3A_619 = arith.mulf %get3A_616, %mul3A_618 : vector<16xf32>
        tpu.vector_store_idx %arg8[%add3A_128, %select_n3A_148, %broadcast_in_dim3A_595], %mul3A_619 : memref<8x8x136xf32, #tpu.memory_space<vmem>>[vector<16xi32>, vector<16xi32>, vector<16xi32>], vector<16xf32>,
        %scan3A_620 = arith.constant 6 : i32
        %scan3A_621 = arith.addi %scan3A_461, %scan3A_620 : i32
        %broadcast_in_dim3A_622 = vector.broadcast %scan3A_621 : i32 to vector<16xi32>
        %get3A_623 = arith.index_cast %scan3A_621 : i32 to index
        %get3A_624 = arith.constant 0 : index
        %get3A_625 = tpu.vector_load %arg6[%get3A_623, %get3A_624] {strides = array<i32>} : memref<128x64xf32, #tpu.memory_space<vmem>>, vector<16xf32>,
        %mul3A_626 = arith.constant 8.000000e+00 : f32
        %mul3A_627 = vector.broadcast %mul3A_626 : f32 to vector<16xf32>
        %mul3A_628 = arith.mulf %get3A_625, %mul3A_627 : vector<16xf32>
        tpu.vector_store_idx %arg8[%add3A_26, %select_n3A_148, %broadcast_in_dim3A_622], %mul3A_628 : memref<8x8x136xf32, #tpu.memory_space<vmem>>[vector<16xi32>, vector<16xi32>, vector<16xi32>], vector<16xf32>,
        %get3A_629 = arith.index_cast %scan3A_621 : i32 to index
        %get3A_630 = arith.constant 16 : index
        %get3A_631 = tpu.vector_load %arg6[%get3A_629, %get3A_630] {strides = array<i32>} : memref<128x64xf32, #tpu.memory_space<vmem>>, vector<16xf32>,
        %mul3A_632 = arith.constant 8.000000e+00 : f32
        %mul3A_633 = vector.broadcast %mul3A_632 : f32 to vector<16xf32>
        %mul3A_634 = arith.mulf %get3A_631, %mul3A_633 : vector<16xf32>
        tpu.vector_store_idx %arg8[%add3A_60, %select_n3A_148, %broadcast_in_dim3A_622], %mul3A_634 : memref<8x8x136xf32, #tpu.memory_space<vmem>>[vector<16xi32>, vector<16xi32>, vector<16xi32>], vector<16xf32>,
        %get3A_635 = arith.index_cast %scan3A_621 : i32 to index
        %get3A_636 = arith.constant 32 : index
        %get3A_637 = tpu.vector_load %arg6[%get3A_635, %get3A_636] {strides = array<i32>} : memref<128x64xf32, #tpu.memory_space<vmem>>, vector<16xf32>,
        %mul3A_638 = arith.constant 8.000000e+00 : f32
        %mul3A_639 = vector.broadcast %mul3A_638 : f32 to vector<16xf32>
        %mul3A_640 = arith.mulf %get3A_637, %mul3A_639 : vector<16xf32>
        tpu.vector_store_idx %arg8[%add3A_94, %select_n3A_148, %broadcast_in_dim3A_622], %mul3A_640 : memref<8x8x136xf32, #tpu.memory_space<vmem>>[vector<16xi32>, vector<16xi32>, vector<16xi32>], vector<16xf32>,
        %get3A_641 = arith.index_cast %scan3A_621 : i32 to index
        %get3A_642 = arith.constant 48 : index
        %get3A_643 = tpu.vector_load %arg6[%get3A_641, %get3A_642] {strides = array<i32>} : memref<128x64xf32, #tpu.memory_space<vmem>>, vector<16xf32>,
        %mul3A_644 = arith.constant 8.000000e+00 : f32
        %mul3A_645 = vector.broadcast %mul3A_644 : f32 to vector<16xf32>
        %mul3A_646 = arith.mulf %get3A_643, %mul3A_645 : vector<16xf32>
        tpu.vector_store_idx %arg8[%add3A_128, %select_n3A_148, %broadcast_in_dim3A_622], %mul3A_646 : memref<8x8x136xf32, #tpu.memory_space<vmem>>[vector<16xi32>, vector<16xi32>, vector<16xi32>], vector<16xf32>,
        %scan3A_647 = arith.constant 7 : i32
        %scan3A_648 = arith.addi %scan3A_461, %scan3A_647 : i32
        %broadcast_in_dim3A_649 = vector.broadcast %scan3A_648 : i32 to vector<16xi32>
        %get3A_650 = arith.index_cast %scan3A_648 : i32 to index
        %get3A_651 = arith.constant 0 : index
        %get3A_652 = tpu.vector_load %arg6[%get3A_650, %get3A_651] {strides = array<i32>} : memref<128x64xf32, #tpu.memory_space<vmem>>, vector<16xf32>,
        %mul3A_653 = arith.constant 8.000000e+00 : f32
        %mul3A_654 = vector.broadcast %mul3A_653 : f32 to vector<16xf32>
        %mul3A_655 = arith.mulf %get3A_652, %mul3A_654 : vector<16xf32>
        tpu.vector_store_idx %arg8[%add3A_26, %select_n3A_148, %broadcast_in_dim3A_649], %mul3A_655 : memref<8x8x136xf32, #tpu.memory_space<vmem>>[vector<16xi32>, vector<16xi32>, vector<16xi32>], vector<16xf32>,
        %get3A_656 = arith.index_cast %scan3A_648 : i32 to index
        %get3A_657 = arith.constant 16 : index
        %get3A_658 = tpu.vector_load %arg6[%get3A_656, %get3A_657] {strides = array<i32>} : memref<128x64xf32, #tpu.memory_space<vmem>>, vector<16xf32>,
        %mul3A_659 = arith.constant 8.000000e+00 : f32
        %mul3A_660 = vector.broadcast %mul3A_659 : f32 to vector<16xf32>
        %mul3A_661 = arith.mulf %get3A_658, %mul3A_660 : vector<16xf32>
        tpu.vector_store_idx %arg8[%add3A_60, %select_n3A_148, %broadcast_in_dim3A_649], %mul3A_661 : memref<8x8x136xf32, #tpu.memory_space<vmem>>[vector<16xi32>, vector<16xi32>, vector<16xi32>], vector<16xf32>,
        %get3A_662 = arith.index_cast %scan3A_648 : i32 to index
        %get3A_663 = arith.constant 32 : index
        %get3A_664 = tpu.vector_load %arg6[%get3A_662, %get3A_663] {strides = array<i32>} : memref<128x64xf32, #tpu.memory_space<vmem>>, vector<16xf32>,
        %mul3A_665 = arith.constant 8.000000e+00 : f32
        %mul3A_666 = vector.broadcast %mul3A_665 : f32 to vector<16xf32>
        %mul3A_667 = arith.mulf %get3A_664, %mul3A_666 : vector<16xf32>
        tpu.vector_store_idx %arg8[%add3A_94, %select_n3A_148, %broadcast_in_dim3A_649], %mul3A_667 : memref<8x8x136xf32, #tpu.memory_space<vmem>>[vector<16xi32>, vector<16xi32>, vector<16xi32>], vector<16xf32>,
        %get3A_668 = arith.index_cast %scan3A_648 : i32 to index
        %get3A_669 = arith.constant 48 : index
        %get3A_670 = tpu.vector_load %arg6[%get3A_668, %get3A_669] {strides = array<i32>} : memref<128x64xf32, #tpu.memory_space<vmem>>, vector<16xf32>,
        %mul3A_671 = arith.constant 8.000000e+00 : f32
        %mul3A_672 = vector.broadcast %mul3A_671 : f32 to vector<16xf32>
        %mul3A_673 = arith.mulf %get3A_670, %mul3A_672 : vector<16xf32>
        tpu.vector_store_idx %arg8[%add3A_128, %select_n3A_148, %broadcast_in_dim3A_649], %mul3A_673 : memref<8x8x136xf32, #tpu.memory_space<vmem>>[vector<16xi32>, vector<16xi32>, vector<16xi32>], vector<16xf32>,
      }
      %scan3A_310 = arith.constant 128 : i32
      %dma_start3A_311 = arith.constant 0 : i32
      %dma_start3A_312 = arith.constant 0 : i32
      %dma_start3A_313 = arith.constant 0 : i32
      %dma_start3A_314 = tpu.memref_slice %arg8[%dma_start3A_311, %dma_start3A_312, %dma_start3A_313] : memref<8x8x136xf32, #tpu.memory_space<vmem>> -> memref<8x8x128xf32, #tpu.memory_space<vmem>>
      %dma_start3A_315 = arith.constant 0 : i32
      %dma_start3A_316 = arith.constant 0 : i32
      %dma_start3A_317 = arith.constant 0 : i32
      %dma_start3A_318 = tpu.memref_slice %arg4[%add3A_289, %dma_start3A_315, %select_n3A_270, %dma_start3A_316, %dma_start3A_317] : memref<200x8x8x8x128xf32, #tpu.memory_space<hbm>> -> memref<1x8x1x8x128xf32, #tpu.memory_space<hbm>>
      %dma_start3A_319 = tpu.memref_squeeze %dma_start3A_318 : memref<1x8x1x8x128xf32, #tpu.memory_space<hbm>> -> memref<8x8x128xf32, #tpu.memory_space<hbm>>
      %dma_start3A_320 = arith.constant 0 : i32
      %dma_start3A_321 = arith.constant 0 : i32
      %dma_start3A_322 = arith.constant 0 : i32
      %dma_start3A_323 = tpu.memref_slice %arg4[%add3A_289, %dma_start3A_320, %select_n3A_270, %dma_start3A_321, %dma_start3A_322] : memref<200x8x8x8x128xf32, #tpu.memory_space<hbm>> -> memref<1x8x1x8x128xf32, #tpu.memory_space<hbm>>
      %dma_start3A_324 = tpu.memref_squeeze %dma_start3A_323 : memref<1x8x1x8x128xf32, #tpu.memory_space<hbm>> -> memref<8x8x128xf32, #tpu.memory_space<hbm>>
      %dma_start3A_325 = arith.constant 0 : i32
      %dma_start3A_326 = arith.constant 0 : i32
      %dma_start3A_327 = arith.constant 0 : i32
      %dma_start3A_328 = tpu.memref_slice %arg8[%dma_start3A_325, %dma_start3A_326, %dma_start3A_327] : memref<8x8x136xf32, #tpu.memory_space<vmem>> -> memref<8x8x128xf32, #tpu.memory_space<vmem>>
      tpu.enqueue_dma source(%dma_start3A_328 : memref<8x8x128xf32, #tpu.memory_space<vmem>>) target(%dma_start3A_324 : memref<8x8x128xf32, #tpu.memory_space<hbm>>) target_semaphore(%arg12 : memref<!tpu.dma_semaphore, #tpu.memory_space<semaphore_mem>>)
      %mul3A_329 = arith.constant 2 : i32
      %mul3A_330 = arith.muli %scan3A_199, %mul3A_329 : i32
      %add3A_331 = arith.constant 1 : i32
      %add3A_332 = arith.addi %mul3A_330, %add3A_331 : i32
      %mul3A_333 = arith.constant 50 : i32
      %mul3A_334 = arith.muli %add3A, %mul3A_333 : i32
      %add3A_335 = arith.addi %mul3A_334, %add3A_332 : i32
      %jit3A_336 = arith.constant 64 : i32
      %div3A_337 = arith.divsi %add3A_335, %jit3A_336 : i32
      %sign3A_338 = arith.constant 0 : i32
      %sign3A_339 = arith.cmpi sgt, %add3A_335, %sign3A_338 : i32
      %sign3A_340 = arith.extui %sign3A_339 : i1 to i32
      %sign3A_341 = arith.constant 0 : i32
      %sign3A_342 = arith.cmpi slt, %add3A_335, %sign3A_341 : i32
      %sign3A_343 = arith.extui %sign3A_342 : i1 to i32
      %sign3A_344 = arith.subi %sign3A_340, %sign3A_343 : i32
      %sign3A_345 = arith.constant 0 : i32
      %sign3A_346 = arith.cmpi sgt, %jit3A_336, %sign3A_345 : i32
      %sign3A_347 = arith.extui %sign3A_346 : i1 to i32
      %sign3A_348 = arith.constant 0 : i32
      %sign3A_349 = arith.cmpi slt, %jit3A_336, %sign3A_348 : i32
      %sign3A_350 = arith.extui %sign3A_349 : i1 to i32
      %sign3A_351 = arith.subi %sign3A_347, %sign3A_350 : i32
      %ne3A_352 = arith.cmpi ne, %sign3A_344, %sign3A_351 : i32
      %rem3A_353 = arith.remsi %add3A_335, %jit3A_336 : i32
      %ne3A_354 = arith.constant 0 : i32
      %ne3A_355 = arith.cmpi ne, %rem3A_353, %ne3A_354 : i32
      %and3A_356 = arith.andi %ne3A_352, %ne3A_355 : i1
      %sub3A_357 = arith.constant 1 : i32
      %sub3A_358 = arith.subi %div3A_337, %sub3A_357 : i32
      %select_n3A_359 = arith.select %and3A_356, %sub3A_358, %div3A_337 : i32
      %jit3A_360 = arith.constant 64 : i32
      %eq3A_361 = arith.constant 0 : i32
      %eq3A_362 = arith.cmpi eq, %jit3A_360, %eq3A_361 : i32
      %jit3A_363 = arith.constant 1 : i32
      %select_n3A_364 = arith.select %eq3A_362, %jit3A_363, %jit3A_360 : i32
      %rem3A_365 = arith.remsi %add3A_335, %select_n3A_364 : i32
      %ne3A_366 = arith.constant 0 : i32
      %ne3A_367 = arith.cmpi ne, %rem3A_365, %ne3A_366 : i32
      %lt3A_368 = arith.constant 0 : i32
      %lt3A_369 = arith.cmpi slt, %rem3A_365, %lt3A_368 : i32
      %lt3A_370 = arith.constant 0 : i32
      %lt3A_371 = arith.cmpi slt, %select_n3A_364, %lt3A_370 : i32
      %ne3A_372 = arith.xori %lt3A_369, %lt3A_371 : i1
      %and3A_373 = arith.andi %ne3A_372, %ne3A_367 : i1
      %add3A_374 = arith.addi %rem3A_365, %select_n3A_364 : i32
      %select_n3A_375 = arith.select %and3A_373, %add3A_374, %rem3A_365 : i32
      %jit3A_376 = arith.constant 8 : i32
      %div3A_377 = arith.divsi %select_n3A_375, %jit3A_376 : i32
      %sign3A_378 = arith.constant 0 : i32
      %sign3A_379 = arith.cmpi sgt, %select_n3A_375, %sign3A_378 : i32
      %sign3A_380 = arith.extui %sign3A_379 : i1 to i32
      %sign3A_381 = arith.constant 0 : i32
      %sign3A_382 = arith.cmpi slt, %select_n3A_375, %sign3A_381 : i32
      %sign3A_383 = arith.extui %sign3A_382 : i1 to i32
      %sign3A_384 = arith.subi %sign3A_380, %sign3A_383 : i32
      %sign3A_385 = arith.constant 0 : i32
      %sign3A_386 = arith.cmpi sgt, %jit3A_376, %sign3A_385 : i32
      %sign3A_387 = arith.extui %sign3A_386 : i1 to i32
      %sign3A_388 = arith.constant 0 : i32
      %sign3A_389 = arith.cmpi slt, %jit3A_376, %sign3A_388 : i32
      %sign3A_390 = arith.extui %sign3A_389 : i1 to i32
      %sign3A_391 = arith.subi %sign3A_387, %sign3A_390 : i32
      %ne3A_392 = arith.cmpi ne, %sign3A_384, %sign3A_391 : i32
      %rem3A_393 = arith.remsi %select_n3A_375, %jit3A_376 : i32
      %ne3A_394 = arith.constant 0 : i32
      %ne3A_395 = arith.cmpi ne, %rem3A_393, %ne3A_394 : i32
      %and3A_396 = arith.andi %ne3A_392, %ne3A_395 : i1
      %sub3A_397 = arith.constant 1 : i32
      %sub3A_398 = arith.subi %div3A_377, %sub3A_397 : i32
      %select_n3A_399 = arith.select %and3A_396, %sub3A_398, %div3A_377 : i32
      %mul3A_400 = arith.constant 8 : i32
      %mul3A_401 = arith.muli %select_n3A_359, %mul3A_400 : i32
      %jit3A_402 = arith.constant 8 : i32
      %eq3A_403 = arith.constant 0 : i32
      %eq3A_404 = arith.cmpi eq, %jit3A_402, %eq3A_403 : i32
      %jit3A_405 = arith.constant 1 : i32
      %select_n3A_406 = arith.select %eq3A_404, %jit3A_405, %jit3A_402 : i32
      %rem3A_407 = arith.remsi %select_n3A_375, %select_n3A_406 : i32
      %ne3A_408 = arith.constant 0 : i32
      %ne3A_409 = arith.cmpi ne, %rem3A_407, %ne3A_408 : i32
      %lt3A_410 = arith.constant 0 : i32
      %lt3A_411 = arith.cmpi slt, %rem3A_407, %lt3A_410 : i32
      %lt3A_412 = arith.constant 0 : i32
      %lt3A_413 = arith.cmpi slt, %select_n3A_406, %lt3A_412 : i32
      %ne3A_414 = arith.xori %lt3A_411, %lt3A_413 : i1
      %and3A_415 = arith.andi %ne3A_414, %ne3A_409 : i1
      %add3A_416 = arith.addi %rem3A_407, %select_n3A_406 : i32
      %select_n3A_417 = arith.select %and3A_415, %add3A_416, %rem3A_407 : i32
      %add3A_418 = arith.addi %mul3A_401, %select_n3A_417 : i32
      %dma_wait3A_419 = arith.constant 0 : i32
      %dma_wait3A_420 = tpu.memref_slice %arg5[%add3A_332, %dma_wait3A_419] : memref<50x128xi32, #tpu.memory_space<vmem>> -> memref<1x128xi32, #tpu.memory_space<vmem>>
      %dma_wait3A_421 = tpu.memref_squeeze %dma_wait3A_420 : memref<1x128xi32, #tpu.memory_space<vmem>> -> memref<128xi32, #tpu.memory_space<vmem>>
      %dma_wait3A_422 = arith.constant 0 : i32
      %dma_wait3A_423 = arith.constant 0 : i32
      %dma_wait3A_424 = tpu.memref_slice %arg3[%dma_wait3A_422, %dma_wait3A_423] : memref<100000x64xf32, #tpu.memory_space<hbm>> -> memref<100000x64xf32, #tpu.memory_space<hbm>>
      tpu.wait_indirect_dma semaphore(%arg11 : memref<!tpu.dma_semaphore, #tpu.memory_space<semaphore_mem>>) src(%dma_wait3A_424 : memref<100000x64xf32, #tpu.memory_space<hbm>>) dst(%arg7 : memref<128x64xf32, #tpu.memory_space<vmem>>)
      %add3A_425 = arith.constant 1 : i32
      %add3A_426 = arith.addi %add3A_332, %add3A_425 : i32
      %lt3A_427 = arith.constant 50 : i32
      %lt3A_428 = arith.cmpi slt, %add3A_426, %lt3A_427 : i32
      %convert_element_type3A_429 = arith.extui %lt3A_428 : i1 to i32
      %cond3A_430 = arith.constant 0 : i32
      %cond3A_431 = arith.cmpi ne, %convert_element_type3A_429, %cond3A_430 : i32
      scf.if %cond3A_431 {
        %add3A_461 = arith.constant 1 : i32
        %add3A_462 = arith.addi %add3A_332, %add3A_461 : i32
        %dma_start3A_463 = arith.constant 0 : i32
        %dma_start3A_464 = tpu.memref_slice %arg5[%add3A_462, %dma_start3A_463] : memref<50x128xi32, #tpu.memory_space<vmem>> -> memref<1x128xi32, #tpu.memory_space<vmem>>
        %dma_start3A_465 = tpu.memref_squeeze %dma_start3A_464 : memref<1x128xi32, #tpu.memory_space<vmem>> -> memref<128xi32, #tpu.memory_space<vmem>>
        %dma_start3A_466 = arith.constant 0 : i32
        %dma_start3A_467 = arith.constant 0 : i32
        %dma_start3A_468 = tpu.memref_slice %arg3[%dma_start3A_466, %dma_start3A_467] : memref<100000x64xf32, #tpu.memory_space<hbm>> -> memref<100000x64xf32, #tpu.memory_space<hbm>>
        tpu.enqueue_indirect_dma source(%dma_start3A_468 : memref<100000x64xf32, #tpu.memory_space<hbm>>) target(%arg6 : memref<128x64xf32, #tpu.memory_space<vmem>>) offsets(%dma_start3A_465 : memref<128xi32, #tpu.memory_space<vmem>>) semaphore(%arg10 : memref<!tpu.dma_semaphore, #tpu.memory_space<semaphore_mem>>)
      } else {
      }
      %gt3A_432 = arith.constant 0 : i32
      %gt3A_433 = arith.cmpi sgt, %scan3A_199, %gt3A_432 : i32
      %convert_element_type3A_434 = arith.extui %gt3A_433 : i1 to i32
      %cond3A_435 = arith.constant 0 : i32
      %cond3A_436 = arith.cmpi ne, %convert_element_type3A_434, %cond3A_435 : i32
      scf.if %cond3A_436 {
        %dma_wait3A_461 = arith.constant 0 : i32
        %dma_wait3A_462 = arith.constant 0 : i32
        %dma_wait3A_463 = arith.constant 0 : i32
        %dma_wait3A_464 = arith.constant 0 : i32
        %dma_wait3A_465 = arith.constant 0 : i32
        %dma_wait3A_466 = tpu.memref_slice %arg9[%dma_wait3A_463, %dma_wait3A_464, %dma_wait3A_465] : memref<8x8x136xf32, #tpu.memory_space<vmem>> -> memref<8x8x128xf32, #tpu.memory_space<vmem>>
        %dma_wait3A_467 = arith.constant 0 : i32
        %dma_wait3A_468 = arith.constant 0 : i32
        %dma_wait3A_469 = arith.constant 0 : i32
        %dma_wait3A_470 = tpu.memref_slice %arg4[%dma_wait3A_461, %dma_wait3A_467, %dma_wait3A_462, %dma_wait3A_468, %dma_wait3A_469] : memref<200x8x8x8x128xf32, #tpu.memory_space<hbm>> -> memref<1x8x1x8x128xf32, #tpu.memory_space<hbm>>
        %dma_wait3A_471 = tpu.memref_squeeze %dma_wait3A_470 : memref<1x8x1x8x128xf32, #tpu.memory_space<hbm>> -> memref<8x8x128xf32, #tpu.memory_space<hbm>>
        %dma_wait3A_472 = arith.constant 0 : i32
        %dma_wait3A_473 = arith.constant 0 : i32
        %dma_wait3A_474 = arith.constant 0 : i32
        %dma_wait3A_475 = tpu.memref_slice %arg4[%dma_wait3A_461, %dma_wait3A_472, %dma_wait3A_462, %dma_wait3A_473, %dma_wait3A_474] : memref<200x8x8x8x128xf32, #tpu.memory_space<hbm>> -> memref<1x8x1x8x128xf32, #tpu.memory_space<hbm>>
        %dma_wait3A_476 = tpu.memref_squeeze %dma_wait3A_475 : memref<1x8x1x8x128xf32, #tpu.memory_space<hbm>> -> memref<8x8x128xf32, #tpu.memory_space<hbm>>
        %dma_wait3A_477 = arith.constant 0 : i32
        %dma_wait3A_478 = arith.constant 0 : i32
        %dma_wait3A_479 = arith.constant 0 : i32
        %dma_wait3A_480 = tpu.memref_slice %arg9[%dma_wait3A_477, %dma_wait3A_478, %dma_wait3A_479] : memref<8x8x136xf32, #tpu.memory_space<vmem>> -> memref<8x8x128xf32, #tpu.memory_space<vmem>>
        tpu.wait_dma2 semaphore(%arg13 : memref<!tpu.dma_semaphore, #tpu.memory_space<semaphore_mem>>) src(%dma_wait3A_480 : memref<8x8x128xf32, #tpu.memory_space<vmem>>) dst(%dma_wait3A_476 : memref<8x8x128xf32, #tpu.memory_space<hbm>>)
      } else {
      }
      %scan3A_437 = arith.constant 0 : i32
      %scan3A_438 = arith.constant 0 : i32
      %scan3A_439 = arith.constant 128 : i32
      %scan3A_440 = arith.addi %scan3A_438, %scan3A_439 : i32
      %scan3A_441 = arith.constant 8 : i32
      scf.for %scan3A_461 = %scan3A_438 to %scan3A_440 step %scan3A_441  : i32 {
        %broadcast_in_dim3A = vector.broadcast %scan3A_461 : i32 to vector<16xi32>
        %get3A = arith.index_cast %scan3A_461 : i32 to index
        %get3A_462 = arith.constant 0 : index
        %get3A_463 = tpu.vector_load %arg7[%get3A, %get3A_462] {strides = array<i32>} : memref<128x64xf32, #tpu.memory_space<vmem>>, vector<16xf32>,
        %mul3A_464 = arith.constant 8.000000e+00 : f32
        %mul3A_465 = vector.broadcast %mul3A_464 : f32 to vector<16xf32>
        %mul3A_466 = arith.mulf %get3A_463, %mul3A_465 : vector<16xf32>
        tpu.vector_store_idx %arg9[%add3A_26, %select_n3A_148, %broadcast_in_dim3A], %mul3A_466 : memref<8x8x136xf32, #tpu.memory_space<vmem>>[vector<16xi32>, vector<16xi32>, vector<16xi32>], vector<16xf32>,
        %get3A_467 = arith.index_cast %scan3A_461 : i32 to index
        %get3A_468 = arith.constant 16 : index
        %get3A_469 = tpu.vector_load %arg7[%get3A_467, %get3A_468] {strides = array<i32>} : memref<128x64xf32, #tpu.memory_space<vmem>>, vector<16xf32>,
        %mul3A_470 = arith.constant 8.000000e+00 : f32
        %mul3A_471 = vector.broadcast %mul3A_470 : f32 to vector<16xf32>
        %mul3A_472 = arith.mulf %get3A_469, %mul3A_471 : vector<16xf32>
        tpu.vector_store_idx %arg9[%add3A_60, %select_n3A_148, %broadcast_in_dim3A], %mul3A_472 : memref<8x8x136xf32, #tpu.memory_space<vmem>>[vector<16xi32>, vector<16xi32>, vector<16xi32>], vector<16xf32>,
        %get3A_473 = arith.index_cast %scan3A_461 : i32 to index
        %get3A_474 = arith.constant 32 : index
        %get3A_475 = tpu.vector_load %arg7[%get3A_473, %get3A_474] {strides = array<i32>} : memref<128x64xf32, #tpu.memory_space<vmem>>, vector<16xf32>,
        %mul3A_476 = arith.constant 8.000000e+00 : f32
        %mul3A_477 = vector.broadcast %mul3A_476 : f32 to vector<16xf32>
        %mul3A_478 = arith.mulf %get3A_475, %mul3A_477 : vector<16xf32>
        tpu.vector_store_idx %arg9[%add3A_94, %select_n3A_148, %broadcast_in_dim3A], %mul3A_478 : memref<8x8x136xf32, #tpu.memory_space<vmem>>[vector<16xi32>, vector<16xi32>, vector<16xi32>], vector<16xf32>,
        %get3A_479 = arith.index_cast %scan3A_461 : i32 to index
        %get3A_480 = arith.constant 48 : index
        %get3A_481 = tpu.vector_load %arg7[%get3A_479, %get3A_480] {strides = array<i32>} : memref<128x64xf32, #tpu.memory_space<vmem>>, vector<16xf32>,
        %mul3A_482 = arith.constant 8.000000e+00 : f32
        %mul3A_483 = vector.broadcast %mul3A_482 : f32 to vector<16xf32>
        %mul3A_484 = arith.mulf %get3A_481, %mul3A_483 : vector<16xf32>
        tpu.vector_store_idx %arg9[%add3A_128, %select_n3A_148, %broadcast_in_dim3A], %mul3A_484 : memref<8x8x136xf32, #tpu.memory_space<vmem>>[vector<16xi32>, vector<16xi32>, vector<16xi32>], vector<16xf32>,
        %scan3A_485 = arith.constant 1 : i32
        %scan3A_486 = arith.addi %scan3A_461, %scan3A_485 : i32
        %broadcast_in_dim3A_487 = vector.broadcast %scan3A_486 : i32 to vector<16xi32>
        %get3A_488 = arith.index_cast %scan3A_486 : i32 to index
        %get3A_489 = arith.constant 0 : index
        %get3A_490 = tpu.vector_load %arg7[%get3A_488, %get3A_489] {strides = array<i32>} : memref<128x64xf32, #tpu.memory_space<vmem>>, vector<16xf32>,
        %mul3A_491 = arith.constant 8.000000e+00 : f32
        %mul3A_492 = vector.broadcast %mul3A_491 : f32 to vector<16xf32>
        %mul3A_493 = arith.mulf %get3A_490, %mul3A_492 : vector<16xf32>
        tpu.vector_store_idx %arg9[%add3A_26, %select_n3A_148, %broadcast_in_dim3A_487], %mul3A_493 : memref<8x8x136xf32, #tpu.memory_space<vmem>>[vector<16xi32>, vector<16xi32>, vector<16xi32>], vector<16xf32>,
        %get3A_494 = arith.index_cast %scan3A_486 : i32 to index
        %get3A_495 = arith.constant 16 : index
        %get3A_496 = tpu.vector_load %arg7[%get3A_494, %get3A_495] {strides = array<i32>} : memref<128x64xf32, #tpu.memory_space<vmem>>, vector<16xf32>,
        %mul3A_497 = arith.constant 8.000000e+00 : f32
        %mul3A_498 = vector.broadcast %mul3A_497 : f32 to vector<16xf32>
        %mul3A_499 = arith.mulf %get3A_496, %mul3A_498 : vector<16xf32>
        tpu.vector_store_idx %arg9[%add3A_60, %select_n3A_148, %broadcast_in_dim3A_487], %mul3A_499 : memref<8x8x136xf32, #tpu.memory_space<vmem>>[vector<16xi32>, vector<16xi32>, vector<16xi32>], vector<16xf32>,
        %get3A_500 = arith.index_cast %scan3A_486 : i32 to index
        %get3A_501 = arith.constant 32 : index
        %get3A_502 = tpu.vector_load %arg7[%get3A_500, %get3A_501] {strides = array<i32>} : memref<128x64xf32, #tpu.memory_space<vmem>>, vector<16xf32>,
        %mul3A_503 = arith.constant 8.000000e+00 : f32
        %mul3A_504 = vector.broadcast %mul3A_503 : f32 to vector<16xf32>
        %mul3A_505 = arith.mulf %get3A_502, %mul3A_504 : vector<16xf32>
        tpu.vector_store_idx %arg9[%add3A_94, %select_n3A_148, %broadcast_in_dim3A_487], %mul3A_505 : memref<8x8x136xf32, #tpu.memory_space<vmem>>[vector<16xi32>, vector<16xi32>, vector<16xi32>], vector<16xf32>,
        %get3A_506 = arith.index_cast %scan3A_486 : i32 to index
        %get3A_507 = arith.constant 48 : index
        %get3A_508 = tpu.vector_load %arg7[%get3A_506, %get3A_507] {strides = array<i32>} : memref<128x64xf32, #tpu.memory_space<vmem>>, vector<16xf32>,
        %mul3A_509 = arith.constant 8.000000e+00 : f32
        %mul3A_510 = vector.broadcast %mul3A_509 : f32 to vector<16xf32>
        %mul3A_511 = arith.mulf %get3A_508, %mul3A_510 : vector<16xf32>
        tpu.vector_store_idx %arg9[%add3A_128, %select_n3A_148, %broadcast_in_dim3A_487], %mul3A_511 : memref<8x8x136xf32, #tpu.memory_space<vmem>>[vector<16xi32>, vector<16xi32>, vector<16xi32>], vector<16xf32>,
        %scan3A_512 = arith.constant 2 : i32
        %scan3A_513 = arith.addi %scan3A_461, %scan3A_512 : i32
        %broadcast_in_dim3A_514 = vector.broadcast %scan3A_513 : i32 to vector<16xi32>
        %get3A_515 = arith.index_cast %scan3A_513 : i32 to index
        %get3A_516 = arith.constant 0 : index
        %get3A_517 = tpu.vector_load %arg7[%get3A_515, %get3A_516] {strides = array<i32>} : memref<128x64xf32, #tpu.memory_space<vmem>>, vector<16xf32>,
        %mul3A_518 = arith.constant 8.000000e+00 : f32
        %mul3A_519 = vector.broadcast %mul3A_518 : f32 to vector<16xf32>
        %mul3A_520 = arith.mulf %get3A_517, %mul3A_519 : vector<16xf32>
        tpu.vector_store_idx %arg9[%add3A_26, %select_n3A_148, %broadcast_in_dim3A_514], %mul3A_520 : memref<8x8x136xf32, #tpu.memory_space<vmem>>[vector<16xi32>, vector<16xi32>, vector<16xi32>], vector<16xf32>,
        %get3A_521 = arith.index_cast %scan3A_513 : i32 to index
        %get3A_522 = arith.constant 16 : index
        %get3A_523 = tpu.vector_load %arg7[%get3A_521, %get3A_522] {strides = array<i32>} : memref<128x64xf32, #tpu.memory_space<vmem>>, vector<16xf32>,
        %mul3A_524 = arith.constant 8.000000e+00 : f32
        %mul3A_525 = vector.broadcast %mul3A_524 : f32 to vector<16xf32>
        %mul3A_526 = arith.mulf %get3A_523, %mul3A_525 : vector<16xf32>
        tpu.vector_store_idx %arg9[%add3A_60, %select_n3A_148, %broadcast_in_dim3A_514], %mul3A_526 : memref<8x8x136xf32, #tpu.memory_space<vmem>>[vector<16xi32>, vector<16xi32>, vector<16xi32>], vector<16xf32>,
        %get3A_527 = arith.index_cast %scan3A_513 : i32 to index
        %get3A_528 = arith.constant 32 : index
        %get3A_529 = tpu.vector_load %arg7[%get3A_527, %get3A_528] {strides = array<i32>} : memref<128x64xf32, #tpu.memory_space<vmem>>, vector<16xf32>,
        %mul3A_530 = arith.constant 8.000000e+00 : f32
        %mul3A_531 = vector.broadcast %mul3A_530 : f32 to vector<16xf32>
        %mul3A_532 = arith.mulf %get3A_529, %mul3A_531 : vector<16xf32>
        tpu.vector_store_idx %arg9[%add3A_94, %select_n3A_148, %broadcast_in_dim3A_514], %mul3A_532 : memref<8x8x136xf32, #tpu.memory_space<vmem>>[vector<16xi32>, vector<16xi32>, vector<16xi32>], vector<16xf32>,
        %get3A_533 = arith.index_cast %scan3A_513 : i32 to index
        %get3A_534 = arith.constant 48 : index
        %get3A_535 = tpu.vector_load %arg7[%get3A_533, %get3A_534] {strides = array<i32>} : memref<128x64xf32, #tpu.memory_space<vmem>>, vector<16xf32>,
        %mul3A_536 = arith.constant 8.000000e+00 : f32
        %mul3A_537 = vector.broadcast %mul3A_536 : f32 to vector<16xf32>
        %mul3A_538 = arith.mulf %get3A_535, %mul3A_537 : vector<16xf32>
        tpu.vector_store_idx %arg9[%add3A_128, %select_n3A_148, %broadcast_in_dim3A_514], %mul3A_538 : memref<8x8x136xf32, #tpu.memory_space<vmem>>[vector<16xi32>, vector<16xi32>, vector<16xi32>], vector<16xf32>,
        %scan3A_539 = arith.constant 3 : i32
        %scan3A_540 = arith.addi %scan3A_461, %scan3A_539 : i32
        %broadcast_in_dim3A_541 = vector.broadcast %scan3A_540 : i32 to vector<16xi32>
        %get3A_542 = arith.index_cast %scan3A_540 : i32 to index
        %get3A_543 = arith.constant 0 : index
        %get3A_544 = tpu.vector_load %arg7[%get3A_542, %get3A_543] {strides = array<i32>} : memref<128x64xf32, #tpu.memory_space<vmem>>, vector<16xf32>,
        %mul3A_545 = arith.constant 8.000000e+00 : f32
        %mul3A_546 = vector.broadcast %mul3A_545 : f32 to vector<16xf32>
        %mul3A_547 = arith.mulf %get3A_544, %mul3A_546 : vector<16xf32>
        tpu.vector_store_idx %arg9[%add3A_26, %select_n3A_148, %broadcast_in_dim3A_541], %mul3A_547 : memref<8x8x136xf32, #tpu.memory_space<vmem>>[vector<16xi32>, vector<16xi32>, vector<16xi32>], vector<16xf32>,
        %get3A_548 = arith.index_cast %scan3A_540 : i32 to index
        %get3A_549 = arith.constant 16 : index
        %get3A_550 = tpu.vector_load %arg7[%get3A_548, %get3A_549] {strides = array<i32>} : memref<128x64xf32, #tpu.memory_space<vmem>>, vector<16xf32>,
        %mul3A_551 = arith.constant 8.000000e+00 : f32
        %mul3A_552 = vector.broadcast %mul3A_551 : f32 to vector<16xf32>
        %mul3A_553 = arith.mulf %get3A_550, %mul3A_552 : vector<16xf32>
        tpu.vector_store_idx %arg9[%add3A_60, %select_n3A_148, %broadcast_in_dim3A_541], %mul3A_553 : memref<8x8x136xf32, #tpu.memory_space<vmem>>[vector<16xi32>, vector<16xi32>, vector<16xi32>], vector<16xf32>,
        %get3A_554 = arith.index_cast %scan3A_540 : i32 to index
        %get3A_555 = arith.constant 32 : index
        %get3A_556 = tpu.vector_load %arg7[%get3A_554, %get3A_555] {strides = array<i32>} : memref<128x64xf32, #tpu.memory_space<vmem>>, vector<16xf32>,
        %mul3A_557 = arith.constant 8.000000e+00 : f32
        %mul3A_558 = vector.broadcast %mul3A_557 : f32 to vector<16xf32>
        %mul3A_559 = arith.mulf %get3A_556, %mul3A_558 : vector<16xf32>
        tpu.vector_store_idx %arg9[%add3A_94, %select_n3A_148, %broadcast_in_dim3A_541], %mul3A_559 : memref<8x8x136xf32, #tpu.memory_space<vmem>>[vector<16xi32>, vector<16xi32>, vector<16xi32>], vector<16xf32>,
        %get3A_560 = arith.index_cast %scan3A_540 : i32 to index
        %get3A_561 = arith.constant 48 : index
        %get3A_562 = tpu.vector_load %arg7[%get3A_560, %get3A_561] {strides = array<i32>} : memref<128x64xf32, #tpu.memory_space<vmem>>, vector<16xf32>,
        %mul3A_563 = arith.constant 8.000000e+00 : f32
        %mul3A_564 = vector.broadcast %mul3A_563 : f32 to vector<16xf32>
        %mul3A_565 = arith.mulf %get3A_562, %mul3A_564 : vector<16xf32>
        tpu.vector_store_idx %arg9[%add3A_128, %select_n3A_148, %broadcast_in_dim3A_541], %mul3A_565 : memref<8x8x136xf32, #tpu.memory_space<vmem>>[vector<16xi32>, vector<16xi32>, vector<16xi32>], vector<16xf32>,
        %scan3A_566 = arith.constant 4 : i32
        %scan3A_567 = arith.addi %scan3A_461, %scan3A_566 : i32
        %broadcast_in_dim3A_568 = vector.broadcast %scan3A_567 : i32 to vector<16xi32>
        %get3A_569 = arith.index_cast %scan3A_567 : i32 to index
        %get3A_570 = arith.constant 0 : index
        %get3A_571 = tpu.vector_load %arg7[%get3A_569, %get3A_570] {strides = array<i32>} : memref<128x64xf32, #tpu.memory_space<vmem>>, vector<16xf32>,
        %mul3A_572 = arith.constant 8.000000e+00 : f32
        %mul3A_573 = vector.broadcast %mul3A_572 : f32 to vector<16xf32>
        %mul3A_574 = arith.mulf %get3A_571, %mul3A_573 : vector<16xf32>
        tpu.vector_store_idx %arg9[%add3A_26, %select_n3A_148, %broadcast_in_dim3A_568], %mul3A_574 : memref<8x8x136xf32, #tpu.memory_space<vmem>>[vector<16xi32>, vector<16xi32>, vector<16xi32>], vector<16xf32>,
        %get3A_575 = arith.index_cast %scan3A_567 : i32 to index
        %get3A_576 = arith.constant 16 : index
        %get3A_577 = tpu.vector_load %arg7[%get3A_575, %get3A_576] {strides = array<i32>} : memref<128x64xf32, #tpu.memory_space<vmem>>, vector<16xf32>,
        %mul3A_578 = arith.constant 8.000000e+00 : f32
        %mul3A_579 = vector.broadcast %mul3A_578 : f32 to vector<16xf32>
        %mul3A_580 = arith.mulf %get3A_577, %mul3A_579 : vector<16xf32>
        tpu.vector_store_idx %arg9[%add3A_60, %select_n3A_148, %broadcast_in_dim3A_568], %mul3A_580 : memref<8x8x136xf32, #tpu.memory_space<vmem>>[vector<16xi32>, vector<16xi32>, vector<16xi32>], vector<16xf32>,
        %get3A_581 = arith.index_cast %scan3A_567 : i32 to index
        %get3A_582 = arith.constant 32 : index
        %get3A_583 = tpu.vector_load %arg7[%get3A_581, %get3A_582] {strides = array<i32>} : memref<128x64xf32, #tpu.memory_space<vmem>>, vector<16xf32>,
        %mul3A_584 = arith.constant 8.000000e+00 : f32
        %mul3A_585 = vector.broadcast %mul3A_584 : f32 to vector<16xf32>
        %mul3A_586 = arith.mulf %get3A_583, %mul3A_585 : vector<16xf32>
        tpu.vector_store_idx %arg9[%add3A_94, %select_n3A_148, %broadcast_in_dim3A_568], %mul3A_586 : memref<8x8x136xf32, #tpu.memory_space<vmem>>[vector<16xi32>, vector<16xi32>, vector<16xi32>], vector<16xf32>,
        %get3A_587 = arith.index_cast %scan3A_567 : i32 to index
        %get3A_588 = arith.constant 48 : index
        %get3A_589 = tpu.vector_load %arg7[%get3A_587, %get3A_588] {strides = array<i32>} : memref<128x64xf32, #tpu.memory_space<vmem>>, vector<16xf32>,
        %mul3A_590 = arith.constant 8.000000e+00 : f32
        %mul3A_591 = vector.broadcast %mul3A_590 : f32 to vector<16xf32>
        %mul3A_592 = arith.mulf %get3A_589, %mul3A_591 : vector<16xf32>
        tpu.vector_store_idx %arg9[%add3A_128, %select_n3A_148, %broadcast_in_dim3A_568], %mul3A_592 : memref<8x8x136xf32, #tpu.memory_space<vmem>>[vector<16xi32>, vector<16xi32>, vector<16xi32>], vector<16xf32>,
        %scan3A_593 = arith.constant 5 : i32
        %scan3A_594 = arith.addi %scan3A_461, %scan3A_593 : i32
        %broadcast_in_dim3A_595 = vector.broadcast %scan3A_594 : i32 to vector<16xi32>
        %get3A_596 = arith.index_cast %scan3A_594 : i32 to index
        %get3A_597 = arith.constant 0 : index
        %get3A_598 = tpu.vector_load %arg7[%get3A_596, %get3A_597] {strides = array<i32>} : memref<128x64xf32, #tpu.memory_space<vmem>>, vector<16xf32>,
        %mul3A_599 = arith.constant 8.000000e+00 : f32
        %mul3A_600 = vector.broadcast %mul3A_599 : f32 to vector<16xf32>
        %mul3A_601 = arith.mulf %get3A_598, %mul3A_600 : vector<16xf32>
        tpu.vector_store_idx %arg9[%add3A_26, %select_n3A_148, %broadcast_in_dim3A_595], %mul3A_601 : memref<8x8x136xf32, #tpu.memory_space<vmem>>[vector<16xi32>, vector<16xi32>, vector<16xi32>], vector<16xf32>,
        %get3A_602 = arith.index_cast %scan3A_594 : i32 to index
        %get3A_603 = arith.constant 16 : index
        %get3A_604 = tpu.vector_load %arg7[%get3A_602, %get3A_603] {strides = array<i32>} : memref<128x64xf32, #tpu.memory_space<vmem>>, vector<16xf32>,
        %mul3A_605 = arith.constant 8.000000e+00 : f32
        %mul3A_606 = vector.broadcast %mul3A_605 : f32 to vector<16xf32>
        %mul3A_607 = arith.mulf %get3A_604, %mul3A_606 : vector<16xf32>
        tpu.vector_store_idx %arg9[%add3A_60, %select_n3A_148, %broadcast_in_dim3A_595], %mul3A_607 : memref<8x8x136xf32, #tpu.memory_space<vmem>>[vector<16xi32>, vector<16xi32>, vector<16xi32>], vector<16xf32>,
        %get3A_608 = arith.index_cast %scan3A_594 : i32 to index
        %get3A_609 = arith.constant 32 : index
        %get3A_610 = tpu.vector_load %arg7[%get3A_608, %get3A_609] {strides = array<i32>} : memref<128x64xf32, #tpu.memory_space<vmem>>, vector<16xf32>,
        %mul3A_611 = arith.constant 8.000000e+00 : f32
        %mul3A_612 = vector.broadcast %mul3A_611 : f32 to vector<16xf32>
        %mul3A_613 = arith.mulf %get3A_610, %mul3A_612 : vector<16xf32>
        tpu.vector_store_idx %arg9[%add3A_94, %select_n3A_148, %broadcast_in_dim3A_595], %mul3A_613 : memref<8x8x136xf32, #tpu.memory_space<vmem>>[vector<16xi32>, vector<16xi32>, vector<16xi32>], vector<16xf32>,
        %get3A_614 = arith.index_cast %scan3A_594 : i32 to index
        %get3A_615 = arith.constant 48 : index
        %get3A_616 = tpu.vector_load %arg7[%get3A_614, %get3A_615] {strides = array<i32>} : memref<128x64xf32, #tpu.memory_space<vmem>>, vector<16xf32>,
        %mul3A_617 = arith.constant 8.000000e+00 : f32
        %mul3A_618 = vector.broadcast %mul3A_617 : f32 to vector<16xf32>
        %mul3A_619 = arith.mulf %get3A_616, %mul3A_618 : vector<16xf32>
        tpu.vector_store_idx %arg9[%add3A_128, %select_n3A_148, %broadcast_in_dim3A_595], %mul3A_619 : memref<8x8x136xf32, #tpu.memory_space<vmem>>[vector<16xi32>, vector<16xi32>, vector<16xi32>], vector<16xf32>,
        %scan3A_620 = arith.constant 6 : i32
        %scan3A_621 = arith.addi %scan3A_461, %scan3A_620 : i32
        %broadcast_in_dim3A_622 = vector.broadcast %scan3A_621 : i32 to vector<16xi32>
        %get3A_623 = arith.index_cast %scan3A_621 : i32 to index
        %get3A_624 = arith.constant 0 : index
        %get3A_625 = tpu.vector_load %arg7[%get3A_623, %get3A_624] {strides = array<i32>} : memref<128x64xf32, #tpu.memory_space<vmem>>, vector<16xf32>,
        %mul3A_626 = arith.constant 8.000000e+00 : f32
        %mul3A_627 = vector.broadcast %mul3A_626 : f32 to vector<16xf32>
        %mul3A_628 = arith.mulf %get3A_625, %mul3A_627 : vector<16xf32>
        tpu.vector_store_idx %arg9[%add3A_26, %select_n3A_148, %broadcast_in_dim3A_622], %mul3A_628 : memref<8x8x136xf32, #tpu.memory_space<vmem>>[vector<16xi32>, vector<16xi32>, vector<16xi32>], vector<16xf32>,
        %get3A_629 = arith.index_cast %scan3A_621 : i32 to index
        %get3A_630 = arith.constant 16 : index
        %get3A_631 = tpu.vector_load %arg7[%get3A_629, %get3A_630] {strides = array<i32>} : memref<128x64xf32, #tpu.memory_space<vmem>>, vector<16xf32>,
        %mul3A_632 = arith.constant 8.000000e+00 : f32
        %mul3A_633 = vector.broadcast %mul3A_632 : f32 to vector<16xf32>
        %mul3A_634 = arith.mulf %get3A_631, %mul3A_633 : vector<16xf32>
        tpu.vector_store_idx %arg9[%add3A_60, %select_n3A_148, %broadcast_in_dim3A_622], %mul3A_634 : memref<8x8x136xf32, #tpu.memory_space<vmem>>[vector<16xi32>, vector<16xi32>, vector<16xi32>], vector<16xf32>,
        %get3A_635 = arith.index_cast %scan3A_621 : i32 to index
        %get3A_636 = arith.constant 32 : index
        %get3A_637 = tpu.vector_load %arg7[%get3A_635, %get3A_636] {strides = array<i32>} : memref<128x64xf32, #tpu.memory_space<vmem>>, vector<16xf32>,
        %mul3A_638 = arith.constant 8.000000e+00 : f32
        %mul3A_639 = vector.broadcast %mul3A_638 : f32 to vector<16xf32>
        %mul3A_640 = arith.mulf %get3A_637, %mul3A_639 : vector<16xf32>
        tpu.vector_store_idx %arg9[%add3A_94, %select_n3A_148, %broadcast_in_dim3A_622], %mul3A_640 : memref<8x8x136xf32, #tpu.memory_space<vmem>>[vector<16xi32>, vector<16xi32>, vector<16xi32>], vector<16xf32>,
        %get3A_641 = arith.index_cast %scan3A_621 : i32 to index
        %get3A_642 = arith.constant 48 : index
        %get3A_643 = tpu.vector_load %arg7[%get3A_641, %get3A_642] {strides = array<i32>} : memref<128x64xf32, #tpu.memory_space<vmem>>, vector<16xf32>,
        %mul3A_644 = arith.constant 8.000000e+00 : f32
        %mul3A_645 = vector.broadcast %mul3A_644 : f32 to vector<16xf32>
        %mul3A_646 = arith.mulf %get3A_643, %mul3A_645 : vector<16xf32>
        tpu.vector_store_idx %arg9[%add3A_128, %select_n3A_148, %broadcast_in_dim3A_622], %mul3A_646 : memref<8x8x136xf32, #tpu.memory_space<vmem>>[vector<16xi32>, vector<16xi32>, vector<16xi32>], vector<16xf32>,
        %scan3A_647 = arith.constant 7 : i32
        %scan3A_648 = arith.addi %scan3A_461, %scan3A_647 : i32
        %broadcast_in_dim3A_649 = vector.broadcast %scan3A_648 : i32 to vector<16xi32>
        %get3A_650 = arith.index_cast %scan3A_648 : i32 to index
        %get3A_651 = arith.constant 0 : index
        %get3A_652 = tpu.vector_load %arg7[%get3A_650, %get3A_651] {strides = array<i32>} : memref<128x64xf32, #tpu.memory_space<vmem>>, vector<16xf32>,
        %mul3A_653 = arith.constant 8.000000e+00 : f32
        %mul3A_654 = vector.broadcast %mul3A_653 : f32 to vector<16xf32>
        %mul3A_655 = arith.mulf %get3A_652, %mul3A_654 : vector<16xf32>
        tpu.vector_store_idx %arg9[%add3A_26, %select_n3A_148, %broadcast_in_dim3A_649], %mul3A_655 : memref<8x8x136xf32, #tpu.memory_space<vmem>>[vector<16xi32>, vector<16xi32>, vector<16xi32>], vector<16xf32>,
        %get3A_656 = arith.index_cast %scan3A_648 : i32 to index
        %get3A_657 = arith.constant 16 : index
        %get3A_658 = tpu.vector_load %arg7[%get3A_656, %get3A_657] {strides = array<i32>} : memref<128x64xf32, #tpu.memory_space<vmem>>, vector<16xf32>,
        %mul3A_659 = arith.constant 8.000000e+00 : f32
        %mul3A_660 = vector.broadcast %mul3A_659 : f32 to vector<16xf32>
        %mul3A_661 = arith.mulf %get3A_658, %mul3A_660 : vector<16xf32>
        tpu.vector_store_idx %arg9[%add3A_60, %select_n3A_148, %broadcast_in_dim3A_649], %mul3A_661 : memref<8x8x136xf32, #tpu.memory_space<vmem>>[vector<16xi32>, vector<16xi32>, vector<16xi32>], vector<16xf32>,
        %get3A_662 = arith.index_cast %scan3A_648 : i32 to index
        %get3A_663 = arith.constant 32 : index
        %get3A_664 = tpu.vector_load %arg7[%get3A_662, %get3A_663] {strides = array<i32>} : memref<128x64xf32, #tpu.memory_space<vmem>>, vector<16xf32>,
        %mul3A_665 = arith.constant 8.000000e+00 : f32
        %mul3A_666 = vector.broadcast %mul3A_665 : f32 to vector<16xf32>
        %mul3A_667 = arith.mulf %get3A_664, %mul3A_666 : vector<16xf32>
        tpu.vector_store_idx %arg9[%add3A_94, %select_n3A_148, %broadcast_in_dim3A_649], %mul3A_667 : memref<8x8x136xf32, #tpu.memory_space<vmem>>[vector<16xi32>, vector<16xi32>, vector<16xi32>], vector<16xf32>,
        %get3A_668 = arith.index_cast %scan3A_648 : i32 to index
        %get3A_669 = arith.constant 48 : index
        %get3A_670 = tpu.vector_load %arg7[%get3A_668, %get3A_669] {strides = array<i32>} : memref<128x64xf32, #tpu.memory_space<vmem>>, vector<16xf32>,
        %mul3A_671 = arith.constant 8.000000e+00 : f32
        %mul3A_672 = vector.broadcast %mul3A_671 : f32 to vector<16xf32>
        %mul3A_673 = arith.mulf %get3A_670, %mul3A_672 : vector<16xf32>
        tpu.vector_store_idx %arg9[%add3A_128, %select_n3A_148, %broadcast_in_dim3A_649], %mul3A_673 : memref<8x8x136xf32, #tpu.memory_space<vmem>>[vector<16xi32>, vector<16xi32>, vector<16xi32>], vector<16xf32>,
      }
      %scan3A_442 = arith.constant 128 : i32
      %dma_start3A_443 = arith.constant 0 : i32
      %dma_start3A_444 = arith.constant 0 : i32
      %dma_start3A_445 = arith.constant 0 : i32
      %dma_start3A_446 = tpu.memref_slice %arg9[%dma_start3A_443, %dma_start3A_444, %dma_start3A_445] : memref<8x8x136xf32, #tpu.memory_space<vmem>> -> memref<8x8x128xf32, #tpu.memory_space<vmem>>
      %dma_start3A_447 = arith.constant 0 : i32
      %dma_start3A_448 = arith.constant 0 : i32
      %dma_start3A_449 = arith.constant 0 : i32
      %dma_start3A_450 = tpu.memref_slice %arg4[%add3A_418, %dma_start3A_447, %select_n3A_399, %dma_start3A_448, %dma_start3A_449] : memref<200x8x8x8x128xf32, #tpu.memory_space<hbm>> -> memref<1x8x1x8x128xf32, #tpu.memory_space<hbm>>
      %dma_start3A_451 = tpu.memref_squeeze %dma_start3A_450 : memref<1x8x1x8x128xf32, #tpu.memory_space<hbm>> -> memref<8x8x128xf32, #tpu.memory_space<hbm>>
      %dma_start3A_452 = arith.constant 0 : i32
      %dma_start3A_453 = arith.constant 0 : i32
      %dma_start3A_454 = arith.constant 0 : i32
      %dma_start3A_455 = tpu.memref_slice %arg4[%add3A_418, %dma_start3A_452, %select_n3A_399, %dma_start3A_453, %dma_start3A_454] : memref<200x8x8x8x128xf32, #tpu.memory_space<hbm>> -> memref<1x8x1x8x128xf32, #tpu.memory_space<hbm>>
      %dma_start3A_456 = tpu.memref_squeeze %dma_start3A_455 : memref<1x8x1x8x128xf32, #tpu.memory_space<hbm>> -> memref<8x8x128xf32, #tpu.memory_space<hbm>>
      %dma_start3A_457 = arith.constant 0 : i32
      %dma_start3A_458 = arith.constant 0 : i32
      %dma_start3A_459 = arith.constant 0 : i32
      %dma_start3A_460 = tpu.memref_slice %arg9[%dma_start3A_457, %dma_start3A_458, %dma_start3A_459] : memref<8x8x136xf32, #tpu.memory_space<vmem>> -> memref<8x8x128xf32, #tpu.memory_space<vmem>>
      tpu.enqueue_dma source(%dma_start3A_460 : memref<8x8x128xf32, #tpu.memory_space<vmem>>) target(%dma_start3A_456 : memref<8x8x128xf32, #tpu.memory_space<hbm>>) target_semaphore(%arg13 : memref<!tpu.dma_semaphore, #tpu.memory_space<semaphore_mem>>)
    }
    %scan3A_159 = arith.constant 25 : i32
    %dma_wait3A = arith.constant 0 : i32
    %dma_wait3A_160 = arith.constant 0 : i32
    %dma_wait3A_161 = arith.constant 0 : i32
    %dma_wait3A_162 = arith.constant 0 : i32
    %dma_wait3A_163 = arith.constant 0 : i32
    %dma_wait3A_164 = tpu.memref_slice %arg8[%dma_wait3A_161, %dma_wait3A_162, %dma_wait3A_163] : memref<8x8x136xf32, #tpu.memory_space<vmem>> -> memref<8x8x128xf32, #tpu.memory_space<vmem>>
    %dma_wait3A_165 = arith.constant 0 : i32
    %dma_wait3A_166 = arith.constant 0 : i32
    %dma_wait3A_167 = arith.constant 0 : i32
    %dma_wait3A_168 = tpu.memref_slice %arg4[%dma_wait3A, %dma_wait3A_165, %dma_wait3A_160, %dma_wait3A_166, %dma_wait3A_167] : memref<200x8x8x8x128xf32, #tpu.memory_space<hbm>> -> memref<1x8x1x8x128xf32, #tpu.memory_space<hbm>>
    %dma_wait3A_169 = tpu.memref_squeeze %dma_wait3A_168 : memref<1x8x1x8x128xf32, #tpu.memory_space<hbm>> -> memref<8x8x128xf32, #tpu.memory_space<hbm>>
    %dma_wait3A_170 = arith.constant 0 : i32
    %dma_wait3A_171 = arith.constant 0 : i32
    %dma_wait3A_172 = arith.constant 0 : i32
    %dma_wait3A_173 = tpu.memref_slice %arg4[%dma_wait3A, %dma_wait3A_170, %dma_wait3A_160, %dma_wait3A_171, %dma_wait3A_172] : memref<200x8x8x8x128xf32, #tpu.memory_space<hbm>> -> memref<1x8x1x8x128xf32, #tpu.memory_space<hbm>>
    %dma_wait3A_174 = tpu.memref_squeeze %dma_wait3A_173 : memref<1x8x1x8x128xf32, #tpu.memory_space<hbm>> -> memref<8x8x128xf32, #tpu.memory_space<hbm>>
    %dma_wait3A_175 = arith.constant 0 : i32
    %dma_wait3A_176 = arith.constant 0 : i32
    %dma_wait3A_177 = arith.constant 0 : i32
    %dma_wait3A_178 = tpu.memref_slice %arg8[%dma_wait3A_175, %dma_wait3A_176, %dma_wait3A_177] : memref<8x8x136xf32, #tpu.memory_space<vmem>> -> memref<8x8x128xf32, #tpu.memory_space<vmem>>
    tpu.wait_dma2 semaphore(%arg12 : memref<!tpu.dma_semaphore, #tpu.memory_space<semaphore_mem>>) src(%dma_wait3A_178 : memref<8x8x128xf32, #tpu.memory_space<vmem>>) dst(%dma_wait3A_174 : memref<8x8x128xf32, #tpu.memory_space<hbm>>)
    %dma_wait3A_179 = arith.constant 0 : i32
    %dma_wait3A_180 = arith.constant 0 : i32
    %dma_wait3A_181 = arith.constant 0 : i32
    %dma_wait3A_182 = arith.constant 0 : i32
    %dma_wait3A_183 = arith.constant 0 : i32
    %dma_wait3A_184 = tpu.memref_slice %arg9[%dma_wait3A_181, %dma_wait3A_182, %dma_wait3A_183] : memref<8x8x136xf32, #tpu.memory_space<vmem>> -> memref<8x8x128xf32, #tpu.memory_space<vmem>>
    %dma_wait3A_185 = arith.constant 0 : i32
    %dma_wait3A_186 = arith.constant 0 : i32
    %dma_wait3A_187 = arith.constant 0 : i32
    %dma_wait3A_188 = tpu.memref_slice %arg4[%dma_wait3A_179, %dma_wait3A_185, %dma_wait3A_180, %dma_wait3A_186, %dma_wait3A_187] : memref<200x8x8x8x128xf32, #tpu.memory_space<hbm>> -> memref<1x8x1x8x128xf32, #tpu.memory_space<hbm>>
    %dma_wait3A_189 = tpu.memref_squeeze %dma_wait3A_188 : memref<1x8x1x8x128xf32, #tpu.memory_space<hbm>> -> memref<8x8x128xf32, #tpu.memory_space<hbm>>
    %dma_wait3A_190 = arith.constant 0 : i32
    %dma_wait3A_191 = arith.constant 0 : i32
    %dma_wait3A_192 = arith.constant 0 : i32
    %dma_wait3A_193 = tpu.memref_slice %arg4[%dma_wait3A_179, %dma_wait3A_190, %dma_wait3A_180, %dma_wait3A_191, %dma_wait3A_192] : memref<200x8x8x8x128xf32, #tpu.memory_space<hbm>> -> memref<1x8x1x8x128xf32, #tpu.memory_space<hbm>>
    %dma_wait3A_194 = tpu.memref_squeeze %dma_wait3A_193 : memref<1x8x1x8x128xf32, #tpu.memory_space<hbm>> -> memref<8x8x128xf32, #tpu.memory_space<hbm>>
    %dma_wait3A_195 = arith.constant 0 : i32
    %dma_wait3A_196 = arith.constant 0 : i32
    %dma_wait3A_197 = arith.constant 0 : i32
    %dma_wait3A_198 = tpu.memref_slice %arg9[%dma_wait3A_195, %dma_wait3A_196, %dma_wait3A_197] : memref<8x8x136xf32, #tpu.memory_space<vmem>> -> memref<8x8x128xf32, #tpu.memory_space<vmem>>
    tpu.wait_dma2 semaphore(%arg13 : memref<!tpu.dma_semaphore, #tpu.memory_space<semaphore_mem>>) src(%dma_wait3A_198 : memref<8x8x128xf32, #tpu.memory_space<vmem>>) dst(%dma_wait3A_194 : memref<8x8x128xf32, #tpu.memory_space<hbm>>)
    return
  }
}

</mosaic_0001>

<sc_bundles>
// kernel: _embed_sc.3.cloned.1.call-start
scs
__scs_entry_jumppad:
0x0: {  	(pc) =	sbr.rel $0x88, $3  }
0x1: {  	(tag) =	ssettag $0x0;
	lr =	simm.s32 $0x1  }
0x2: {  	[smem:$0x3F9F] =	sst lr;
	_ =	strace $0xD0000000  }
0x3: {  	_ = 	snop  }
0x4: {  	_ = 	snop  }
0x5: {  	_ = 	snop  }
0x6: {  	_ = 	snop  }
0x7: {  	_ = 	snop  }
__scs_overlays_trampoline_lowered:
0x8: {  	[smem:$0x3FAE] =	sst s0  }
0x9: {  	[smem:$0x3FAF] =	sst s1  }
0xa: {  	[smem:$0x3FB0] =	sst s2  }
0xb: {  	[smem:$0x3FB1] =	sst s3  }
0xc: {  	[smem:$0x3FB2] =	sst s4  }
0xd: {  	[smem:$0x3FB3] =	sst s5  }
0xe: {  	[smem:$0x3FB4] =	sst s6  }
0xf: {  	[smem:$0x3FB5] =	sst s7  }
0x10: {  	[smem:$0x3FB6] =	sst s8  }
0x11: {  	[smem:$0x3FB7] =	sst s9;
	s0 =	simm.s32 @!p0 $0x0  }
0x12: {  	s1 =	sld [smem:$0x3F9D];
	s0 =	simm.s32 @p0 $0x1  }
0x13: {  	[smem:$0x3FB8] =	sst s0;
	s0 =	simm.s32 @!p1 $0x0  }
0x14: {  	s2 =	sld [smem:$0x3F9C];
	s0 =	simm.s32 @p1 $0x1  }
0x15: {  	[smem:$0x3FB9] =	sst s0;
	s0 =	simm.s32 @!p2 $0x0  }
0x16: {  	s3 =	sld [smem:$0x3FDB];
	s0 =	simm.s32 @p2 $0x1  }
0x17: {  	s4 =	simm.s32 $0x1BF5;
	[smem:$0x3FBB] =	sst s0  }
0x18: {  	s0 =	sld [smem:$0x3F9E];
	_ =	swait.ge [sflag:s4], $0x0  }
0x19: {  	s7 =	sld [smem:$0x3F9F]  }
0x1a: {  	s8 =	sadd.s32 $0xFFFFE003, lr  }
0x1b: {  	s9 =	sadd.s32 $0xFFFFFEF7, lr;
	s5 =	simm.s32 $0xFFFFFFFF;
	p2 =	slt.u32 s8, $0xFFFFF086  }
0x1c: {  	p1 =	slt.u32 s9, $0xF7A;
	s5 =	simm.s32 @!p2 $0x0  }
0x1d: {  	s5 =	simm.s32 @p1 $0x1;
	p0 =	seq.s32 s7, s2  }
0x1e: {  	s7 =	smul.u32 @!p0 $0xF7A, s2;
	p2 =	seq.s32 @!p0 s5, $0x0  }
0x1f: {  	s9 =	smul.u32 $0xF7A, s1;
	s8 =	simm.s32 @!p0 $0x1BF5;
	p2 =	por !p2, p0  }
0x20: {  	[sflag:s8] =	ssyncset.s32 @!p0 $0xFFFFF086;
	s6 =	sadd.s32 @!p0 s3, s7;
	s7 =	simm.s32 @!p0 $0x108  }
0x21: {  	s3 =	sadd.s32 s3, s9;
	s6 =	sadd.s32 @!p0 $0x88, s6;
	s7 =	simm.s32 @p2 $0x1082  }
0x22: {  	[simem:s7], [sflag:s8] =	dma.local @!p0 [hbm:s6], $0xF7A  }
0x23: {  	s9 =	sor.u32 $0xD0000000, s2;
	s6 =	simm.s32 $0x108;
	_ =	swait.ge @!p0 [sflag:s8], $0x0  }
0x24: {  	s3 =	sadd.s32 $0x88, s3;
	s6 =	simm.s32 @!p1 $0x1082;
	[sflag:s4] =	ssyncset.s32 $0xFFFFF086  }
0x25: {  	[simem:s6], [sflag:s4] =	dma.local [hbm:s3], $0xF7A  }
0x26: {  	[smem:$0x3F9F] =	sst s1;
	(tag) =	ssettag s2;
	_ =	strace s9  }
0x27: {  	s1 =	sld [smem:$0x3FAF]  }
0x28: {  	s2 =	sld [smem:$0x3FB0]  }
0x29: {  	s4 =	sld [smem:$0x3FB2]  }
0x2a: {  	p0 =	seq.s32 s5, $0x0;
	s5 =	sld [smem:$0x3FB3]  }
0x2b: {  	s6 =	sld [smem:$0x3FB4]  }
0x2c: {  	s7 =	sld [smem:$0x3FB5]  }
0x2d: {  	s3 =	simm.s32 $0x108;
	s8 =	sld [smem:$0x3FB6]  }
0x2e: {  	s3 =	simm.s32 @!p0 $0x1082;
	s9 =	sld [smem:$0x3FB7]  }
0x2f: {  	lr =	sadd.s32 s0, s3;
	s0 =	sld [smem:$0x3FAE]  }
0x30: {  	s3 =	sld [smem:$0x3FB1]  }
0x31: {  	[smem:$0x3FBA] =	sst s10  }
0x32: {  	s10 =	sld [smem:$0x3FB8];
	_ =	sdelay $0x3  }
0x33: {  	p0 =	seq.s32 s10, $0x1;
	s10 =	sld [smem:$0x3FBA];
	_ =	sdelay $0x3  }
0x34: {  	[smem:$0x3FBA] =	sst s10  }
0x35: {  	s10 =	sld [smem:$0x3FB9];
	_ =	sdelay $0x3  }
0x36: {  	p1 =	seq.s32 s10, $0x1;
	s10 =	sld [smem:$0x3FBA];
	_ =	sdelay $0x3  }
0x37: {  	[smem:$0x3FBA] =	sst s10  }
0x38: {  	s10 =	sld [smem:$0x3FBB]  }
0x39: {  	_ = 	snop;
	(pc) =	sbr.ind lr, $3  }
0x3a: {  	_ = 	snop  }
0x3b: {  	_ = 	snop  }
0x3c: {  	p2 =	seq.s32 s10, $0x1;
	s10 =	sld [smem:$0x3FBA]  }
0x3d: {  	_ =	shalt  }
0x3e: {  	_ =	shalt  }
0x3f: {  	_ =	shalt  }
0x40: {  	_ =	shalt  }
0x41: {  	_ =	shalt  }
0x42: {  	_ =	shalt  }
0x43: {  	_ =	shalt  }
0x44: {  	_ =	shalt  }
0x45: {  	_ =	shalt  }
0x46: {  	_ =	shalt  }
0x47: {  	_ =	shalt  }
0x48: {  	_ =	shalt  }
0x49: {  	_ =	shalt  }
0x4a: {  	_ =	shalt  }
0x4b: {  	_ =	shalt  }
0x4c: {  	_ =	shalt  }
0x4d: {  	_ =	shalt  }
0x4e: {  	_ =	shalt  }
0x4f: {  	_ =	shalt  }
0x50: {  	_ =	shalt  }
0x51: {  	_ =	shalt  }
0x52: {  	_ =	shalt  }
0x53: {  	_ =	shalt  }
0x54: {  	_ =	shalt  }
0x55: {  	_ =	shalt  }
0x56: {  	_ =	shalt  }
0x57: {  	_ =	shalt  }
0x58: {  	_ =	shalt  }
0x59: {  	_ =	shalt  }
0x5a: {  	_ =	shalt  }
0x5b: {  	_ =	shalt  }
0x5c: {  	_ =	shalt  }
0x5d: {  	_ =	shalt  }
0x5e: {  	_ =	shalt  }
0x5f: {  	_ =	shalt  }
0x60: {  	_ =	shalt  }
0x61: {  	_ =	shalt  }
0x62: {  	_ =	shalt  }
0x63: {  	_ =	shalt  }
0x64: {  	_ =	shalt  }
0x65: {  	_ =	shalt  }
0x66: {  	_ =	shalt  }
0x67: {  	_ =	shalt  }
0x68: {  	_ =	shalt  }
0x69: {  	_ =	shalt  }
0x6a: {  	_ =	shalt  }
0x6b: {  	_ =	shalt  }
0x6c: {  	_ =	shalt  }
0x6d: {  	_ =	shalt  }
0x6e: {  	_ =	shalt  }
0x6f: {  	_ =	shalt  }
0x70: {  	_ =	shalt  }
0x71: {  	_ =	shalt  }
0x72: {  	_ =	shalt  }
0x73: {  	_ =	shalt  }
0x74: {  	_ =	shalt  }
0x75: {  	_ =	shalt  }
0x76: {  	_ =	shalt  }
0x77: {  	_ =	shalt  }
0x78: {  	_ =	shalt  }
0x79: {  	_ =	shalt  }
0x7a: {  	_ =	shalt  }
0x7b: {  	_ =	shalt  }
0x7c: {  	_ =	shalt  }
0x7d: {  	_ =	shalt  }
0x7e: {  	_ =	shalt  }
0x7f: {  	_ =	shalt  }
0x80: {  	_ =	shalt  }
0x81: {  	_ =	shalt  }
0x82: {  	_ =	shalt  }
0x83: {  	_ =	shalt  }
0x84: {  	_ =	shalt  }
0x85: {  	_ =	shalt  }
0x86: {  	_ =	shalt  }
0x87: {  	_ =	shalt  }
.Lfunc_end0:
.L_simem_size_0:
called_computation_lowered:
.L_overlay_start_0:
0x88: {  	s2 =	sld [smem:$0x3FD9]  }
0x89: {  	s3 =	sld [smem:$0x3FFE];
	_ =	sdelay $0x1  }
0x8a: {  	s1 =	srdreg.scid  }
0x8b: {  	s0 =	sand.u32 $0x1, s1  }
0x8c: {  	s17 =	sshll.u32 s0, $0xA;
	s2 =	sadd.s32 s3, s2  }
0x8d: {  	s2 =	sadd.s32 s2, s17  }
0x8e: {  	[smem:$0x3FC6] =	sst s2  }
0x8f: {  	_ = 	snop  }
0x90: {  	s2 =	sld [smem:$0x3FD0];
	(tm) =	ssettm $0x1  }
0x91: {  	s18 =	sld [smem:$0x3FFB];
	_ =	sdelay $0x3  }
0x92: {  	_ =	strace s18  }
0x93: {  	s3 =	sld [smem:$0x3FFC];
	_ =	sdelay $0x3  }
0x94: {  	_ =	strace s3  }
0x95: {  	s3 =	sld [smem:$0x3FFD];
	_ =	sdelay $0x3  }
0x96: {  	_ =	strace s3  }
0x97: {  	_ =	strace $0x8FFFFFFF  }
0x98: {  	s19 =	sld [smem:$0x3FDB];
	_ =	sdelay $0x1  }
0x99: {  	s4 =	simm.s32 $_scs_section_size  }
0x9a: {  	s5 =	simm.s32 $_size__tile_overlayer_lowered;
	s6 =	simm.s32 $_tile_overlayer_lowered  }
0x9b: {  	s22 =	simm.s32 $0x1BFF;
	s21 =	sshll.u32 s6, $0x1;
	s3 =	sadd.s32 s4, s19  }
0x9c: {  	s7 =	simm.s32 $0x0;
	s20 =	sshll.u32 s5, $0x1;
	s5 =	sadd.s32 s21, s3  }
0x9d: {  	[timem:s7], [sflag:s22] =	dma.local [hbm:s5], s20  }
0x9e: {  	_ =	swait.ge [sflag:s22], s20  }
0x9f: {  	s4 =	ssub.s32 $0x0, s20;
	[sflag:s22] =	ssyncset.done $0x0  }
0xa0: {  	[sflag:s22] =	ssyncadd.s32 s4;
	_ =	sdelay $0x1  }
0xa1: {  	s23 =	simm.s32 $0x1B8B  }
0xa2: {  	_ =	swait.ge [sflag:s23], $0x1  }
0xa3: {  	[sflag:s23] =	ssyncset.done $0x0  }
0xa4: {  	s25 =	simm.s32 $0x1B8E;
	s24 =	sld [smem:$0x3FFE];
	[sflag:s23] =	ssyncadd.s32 $0xFFFFFFFF  }
0xa5: {  	s26 =	simm.s32 $execute0_lowered;
	[smem:$0x3FD2] =	sst s25  }
0xa6: {  	s5 =	sshll.u32 s26, $0x1;
	_ =	strace $0x80000046;
	[dreg:$0x1] =	wrdreg $0xFFFFFFFF  }
0xa7: {  	s28 =	simm.s32 $_size_execute0_lowered;
	s3 =	sadd.s32 s3, s5;
	[dreg:$0x0] =	wrdreg $0x0  }
0xa8: {  	s5 =	sshll.u32 s28, $0x1;
	[dreg:$0x2] =	wrdreg s3  }
0xa9: {  	[dreg:$0x3] =	wrdreg s5  }
0xaa: {  	[dreg:$0x4] =	wrdreg $0xC0  }
0xab: {  	_ =	task [dreg:s7], $0x5FFFF  }
0xac: {  	[dreg:$0x1] =	wrdreg $0xFFFFFFFF  }
0xad: {  	[dreg:$0x0] =	wrdreg $0x60  }
0xae: {  	[dreg:$0x2] =	wrdreg s24  }
0xaf: {  	[dreg:$0x3] =	wrdreg s2  }
0xb0: {  	[dreg:$0x4] =	wrdreg $0x9  }
0xb1: {  	_ =	task.clear_ibuf [dreg:s7], $0x5FFFF;
	_ =	strace $0x90000046  }
0xb2: {  	s29 =	simm.s32 $0x9;
	_ =	strace $0x80000048  }
0xb3: {  	_ =	swait.ge [sflag:s29], $0x1  }
0xb4: {  	[sflag:s29] =	ssyncadd.s32 $0xFFFFFFFF  }
0xb5: {  	_ =	strace $0x90000048  }
0xb6: {  	_ =	sfence  }
0xb7: {  	s30 =	sld [smem:$0x0];
	_ =	sdelay $0x2  }
0xb8: {  	s31 =	sshll.u32 s1, $0xD;
	s1 =	sshrl.u32 s1, $0x2  }
0xb9: {  	s3 =	sand.u32 $0x4000, s31;
	s1 =	sadd.s32 s1, s30  }
0xba: {  	s0 =	sor.u32 s3, s0;
	s1 =	sshll.u32 s1, $0x11  }
0xbb: {  	s0 =	sor.u32 s1, s0  }
0xbc: {  	s0 =	sadd.s32 $0x8F2B, s0  }
0xbd: {  	[sflag:s0] =	ssyncadd.remote.s32 $0x1  }
0xbe: {  	_ =	sfence.sel $0xFFFF  }
0xbf: {  	[dreg:$0x0] =	wrdreg $0xFFFFFFFF;
	(pc) =	sbr.abs _section_cstart, $3  }
0xc0: {  	[dreg:$0x1] =	wrdreg $0xFFFFFFFF  }
0xc1: {  	_ =	task.clear_ibuf [dreg:s7], $0x2FFFF;
	_ =	strace $0x9FFFFFFF  }
0xc2: {  	(tm) =	ssettm $0x7FFFFFFF  }
0xc3: {  	_ =	shalt  }
tec
execute0_lowered:
.L_overlay_start_1:
0x0: {  	(tag) =	ssettag $0x1  }
0x1: {  	v0 =	vlaneseq.u32  }
0x2: {  	v0 =	vmul.u32 $0x88, v0  }
0x3: {  	v1 =	vimm.s32 $0x0;
	vm0 =	vcmask $0x300  }
0x4: {  	s4 =	rddreg [dreg:$0x0];
	s1 =	srdreg.scid;
	v1 =	vsel vm0, $0x3, v1;
	v2 =	vadd.s32 $0x880, v0  }
0x5: {  	s0 =	stileid.u32;
	s2 =	rddreg [dreg:$0x1];
	v3 =	vadd.s32 $0x1100, v0;
	v4 =	vadd.s32 $0x1980, v0;
	v5 =	vor.u32 $0x1, v0  }
0x6: {  	s3 =	simm.s32 $0x0;
	s9 =	simm.s32 $0x80;
	s10 =	simm.s32 $0x1900;
	v6 =	vadd.s32 $0x881, v0;
	v7 =	vadd.s32 $0x1101, v0;
	v8 =	vadd.s32 $0x1981, v0  }
0x7: {  	s11 =	simm.s32 $0x1;
	s12 =	simm.s32 $0x3900;
	s13 =	simm.s32 $0x5900;
	v9 =	vor.u32 $0x2, v0;
	v10 =	vadd.s32 $0x882, v0;
	v11 =	vadd.s32 $0x1102, v0  }
0x8: {  	s14 =	simm.s32 $0x2;
	s15 =	simm.s32 $0x7B00;
	s16 =	simm.s32 $0x3;
	v12 =	vadd.s32 $0x1982, v0;
	v13 =	vor.u32 $0x3, v0;
	v14 =	vadd.s32 $0x883, v0  }
0x9: {  	s17 =	simm.s32 $0x4;
	s5 =	sand.u32 $0x1, s1;
	s6 =	sshll.u32 s0, $0x1;
	v15 =	vadd.s32 $0x1103, v0;
	v16 =	vadd.s32 $0x1983, v0;
	v17 =	vor.u32 $0x4, v0  }
0xa: {  	s18 =	simm.s32 $0x0;
	s1 =	rddreg [dreg:$0x2];
	s6 =	sor.u32 s5, s6;
	v18 =	vadd.s32 $0x884, v0;
	v19 =	vadd.s32 $0x1104, v0;
	v20 =	vadd.s32 $0x1984, v0  }
0xb: {  	[smem:$0x7FF] =	sst s3;
	s5 =	ssub.s32 $0x2, s5;
	s7 =	smul.u32 $0x320, s6;
	v21 =	vor.u32 $0x5, v0;
	v22 =	vadd.s32 $0x885, v0;
	v23 =	vadd.s32 $0x1105, v0  }
0xc: {  	_ =	strace $0x80000047;
	s8 =	sshrl.u32 s5, $0x1;
	s6 =	smul.u32 $0x32, s6;
	v24 =	vadd.s32 $0x1985, v0;
	v25 =	vor.u32 $0x6, v0;
	v26 =	vadd.s32 $0x886, v0  }
0xd: {  	v27 =	vadd.s32 $0x1106, v0;
	v28 =	vadd.s32 $0x1986, v0;
	v29 =	vor.u32 $0x7, v0;
	s8 =	ssub.s32 s5, s8;
	s7 =	sadd.s32 s7, s4;
	s4 =	sadd.s32 $0x6800, s4  }
0xe: {  	v30 =	vadd.s32 $0x887, v0;
	v31 =	vadd.s32 $0x1107, v0;
	v32 =	vadd.s32 $0x1987, v0;
	s5 =	sadd.s32 $0x400, s7;
	s7 =	smax.u32 s8, $0x1;
	s8 =	simm.s32 $0x5  }
.LBB2_1:
0xf: {  	[tilespmem:s3], [sflag:$0x5] =	stream.linear.gather [hbm4b:s5+s3], $0x1900, $0x38;
	[tilespmem:$0x9D00] =	vst v63  }
0x10: {  	_ =	swait.ge [sflag:s8], $0x1900  }
0x11: {  	[sflag:s8] =	ssyncset.done $0x0  }
0x12: {  	s19 =	simm.s32 $0x0;
	[sflag:s8] =	ssyncadd.s32 $0xFFFFE700  }
0x13: {  	[tilespmem:s10], [sflag:$0x1] =	stream.indirect.gather [hbm4b:s4+s9], $0x40, s3, s9, $0xb8;
	[tilespmem:$0x9D00] =	vst v63  }
.LBB2_2:
0x14: {  	_ =	swait.ge [sflag:s11], $0x2000;
	s20 =	sshllo.u32 s19, $0x1  }
0x15: {  	[sflag:s11] =	ssyncset.done $0x0;
	s21 =	sshll.u32 s20, $0x7  }
0x16: {  	p0 =	seq.s32 s19, $0x0;
	[sflag:s11] =	ssyncadd.s32 $0xFFFFE000;
	s21 =	sand.u32 $0x3FFFFF80, s21  }
0x17: {  	[tilespmem:s12], [sflag:$0x2] =	stream.indirect.gather [hbm4b:s4+s9], $0x40, s21, s9, $0xb8;
	[tilespmem:$0x9D00] =	vst v63  }
0x18: {  	s22 =	simm.s32 $0x0;
	s21 =	simm.s32 @!p0 $0x3  }
0x19: {  	v33 =	vmov s22;
	_ =	swait.ge @!p0 [sflag:s21], $0x2000  }
0x1a: {  	v33 =	vshrl.u32 v33, $0x3;
	[sflag:s21] =	ssyncset.done @!p0 $0x0  }
0x1b: {  	v33 =	vshll.u32 v33, v1;
	[sflag:s21] =	ssyncadd.s32 @!p0 $0xFFFFE000;
	s21 =	simm.s32 $0x1A00  }
0x1c: {  	v33 =	vbroadcast v33, $0x0;
	v34 =	vld [tilespmem:s21+$0xFFFFFF00];
	_ =	sdelay $0x1  }
0x1d: {  	v35 =	vadd.s32 v0, v33;
	_ =	sdelay $0x2  }
0x1e: {  	v34 =	vmul.f32 $8.000000000e+00, v34;
	_ =	sdelay $0x1  }
0x1f: {  	[tilespmem:v35+s13+$0x0] =	vst.idx.msk $0xffff, v34  }
0x20: {  	v34 =	vld [tilespmem:s21+$0xFFFFFF10];
	_ =	sdelay $0x1  }
0x21: {  	v54 =	vadd.s32 v2, v33;
	_ =	sdelay $0x2  }
0x22: {  	v34 =	vmul.f32 $8.000000000e+00, v34;
	_ =	sdelay $0x1  }
0x23: {  	[tilespmem:v54+s13+$0x0] =	vst.idx.msk $0xffff, v34  }
0x24: {  	v34 =	vld [tilespmem:s21+$0xFFFFFF20];
	_ =	sdelay $0x1  }
0x25: {  	v55 =	vadd.s32 v3, v33;
	_ =	sdelay $0x2  }
0x26: {  	v34 =	vmul.f32 $8.000000000e+00, v34;
	_ =	sdelay $0x1  }
0x27: {  	[tilespmem:v55+s13+$0x0] =	vst.idx.msk $0xffff, v34  }
0x28: {  	v34 =	vld [tilespmem:s21+$0xFFFFFF30];
	_ =	sdelay $0x1  }
0x29: {  	v33 =	vadd.s32 v4, v33;
	_ =	sdelay $0x1  }
0x2a: {  	s23 =	simm.s32 $0x1  }
0x2b: {  	v56 =	vmov s23;
	v34 =	vmul.f32 $8.000000000e+00, v34  }
0x2c: {  	v35 =	vshrl.u32 v56, $0x3  }
0x2d: {  	v57 =	vshll.u32 v35, v1;
	[tilespmem:v33+s13+$0x0] =	vst.idx.msk $0xffff, v34  }
0x2e: {  	v33 =	vbroadcast v57, $0x0;
	v34 =	vld [tilespmem:s21+$0xFFFFFF40];
	_ =	sdelay $0x1  }
0x2f: {  	v58 =	vadd.s32 v5, v33;
	_ =	sdelay $0x2  }
0x30: {  	v34 =	vmul.f32 $8.000000000e+00, v34;
	_ =	sdelay $0x1  }
0x31: {  	[tilespmem:v58+s13+$0x0] =	vst.idx.msk $0xffff, v34  }
0x32: {  	v34 =	vld [tilespmem:s21+$0xFFFFFF50];
	_ =	sdelay $0x1  }
0x33: {  	v59 =	vadd.s32 v6, v33;
	_ =	sdelay $0x2  }
0x34: {  	v34 =	vmul.f32 $8.000000000e+00, v34;
	_ =	sdelay $0x1  }
0x35: {  	[tilespmem:v59+s13+$0x0] =	vst.idx.msk $0xffff, v34  }
0x36: {  	v34 =	vld [tilespmem:s21+$0xFFFFFF60];
	_ =	sdelay $0x1  }
0x37: {  	v60 =	vadd.s32 v7, v33;
	_ =	sdelay $0x2  }
0x38: {  	v34 =	vmul.f32 $8.000000000e+00, v34;
	_ =	sdelay $0x1  }
0x39: {  	[tilespmem:v60+s13+$0x0] =	vst.idx.msk $0xffff, v34  }
0x3a: {  	v34 =	vld [tilespmem:s21+$0xFFFFFF70];
	_ =	sdelay $0x1  }
0x3b: {  	v33 =	vadd.s32 v8, v33;
	_ =	sdelay $0x1  }
0x3c: {  	s24 =	simm.s32 $0x2  }
0x3d: {  	v61 =	vmov s24;
	v34 =	vmul.f32 $8.000000000e+00, v34  }
0x3e: {  	v35 =	vshrl.u32 v61, $0x3  }
0x3f: {  	v62 =	vshll.u32 v35, v1;
	[tilespmem:v33+s13+$0x0] =	vst.idx.msk $0xffff, v34  }
0x40: {  	v33 =	vbroadcast v62, $0x0;
	v34 =	vld [tilespmem:s21+$0xFFFFFF80];
	_ =	sdelay $0x1  }
0x41: {  	v63 =	vadd.s32 v9, v33;
	_ =	sdelay $0x2  }
0x42: {  	v34 =	vmul.f32 $8.000000000e+00, v34;
	_ =	sdelay $0x1  }
0x43: {  	[tilespmem:v63+s13+$0x0] =	vst.idx.msk $0xffff, v34  }
0x44: {  	v34 =	vld [tilespmem:s21+$0xFFFFFF90];
	_ =	sdelay $0x1  }
0x45: {  	v36 =	vadd.s32 v10, v33;
	_ =	sdelay $0x2  }
0x46: {  	v34 =	vmul.f32 $8.000000000e+00, v34;
	_ =	sdelay $0x1  }
0x47: {  	[tilespmem:v36+s13+$0x0] =	vst.idx.msk $0xffff, v34  }
0x48: {  	v34 =	vld [tilespmem:s21+$0xFFFFFFA0];
	_ =	sdelay $0x1  }
0x49: {  	v37 =	vadd.s32 v11, v33;
	_ =	sdelay $0x2  }
0x4a: {  	v34 =	vmul.f32 $8.000000000e+00, v34;
	_ =	sdelay $0x1  }
0x4b: {  	[tilespmem:v37+s13+$0x0] =	vst.idx.msk $0xffff, v34  }
0x4c: {  	v34 =	vld [tilespmem:s21+$0xFFFFFFB0];
	_ =	sdelay $0x1  }
0x4d: {  	v33 =	vadd.s32 v12, v33;
	_ =	sdelay $0x1  }
0x4e: {  	s25 =	simm.s32 $0x3  }
0x4f: {  	v38 =	vmov s25;
	v34 =	vmul.f32 $8.000000000e+00, v34  }
0x50: {  	v35 =	vshrl.u32 v38, $0x3  }
0x51: {  	v39 =	vshll.u32 v35, v1;
	[tilespmem:v33+s13+$0x0] =	vst.idx.msk $0xffff, v34  }
0x52: {  	v33 =	vbroadcast v39, $0x0;
	v34 =	vld [tilespmem:s21+$0xFFFFFFC0];
	_ =	sdelay $0x1  }
0x53: {  	v40 =	vadd.s32 v13, v33;
	_ =	sdelay $0x2  }
0x54: {  	v34 =	vmul.f32 $8.000000000e+00, v34;
	_ =	sdelay $0x1  }
0x55: {  	[tilespmem:v40+s13+$0x0] =	vst.idx.msk $0xffff, v34  }
0x56: {  	v34 =	vld [tilespmem:s21+$0xFFFFFFD0];
	_ =	sdelay $0x1  }
0x57: {  	v41 =	vadd.s32 v14, v33;
	_ =	sdelay $0x2  }
0x58: {  	v34 =	vmul.f32 $8.000000000e+00, v34;
	_ =	sdelay $0x1  }
0x59: {  	[tilespmem:v41+s13+$0x0] =	vst.idx.msk $0xffff, v34  }
0x5a: {  	v34 =	vld [tilespmem:s21+$0xFFFFFFE0];
	_ =	sdelay $0x1  }
0x5b: {  	v42 =	vadd.s32 v15, v33;
	_ =	sdelay $0x2  }
0x5c: {  	v34 =	vmul.f32 $8.000000000e+00, v34;
	_ =	sdelay $0x1  }
0x5d: {  	[tilespmem:v42+s13+$0x0] =	vst.idx.msk $0xffff, v34  }
0x5e: {  	v34 =	vld [tilespmem:s21+$0xFFFFFFF0];
	_ =	sdelay $0x1  }
0x5f: {  	v33 =	vadd.s32 v16, v33;
	_ =	sdelay $0x1  }
0x60: {  	s26 =	simm.s32 $0x4  }
0x61: {  	v43 =	vmov s26;
	v34 =	vmul.f32 $8.000000000e+00, v34  }
0x62: {  	v35 =	vshrl.u32 v43, $0x3  }
0x63: {  	v44 =	vshll.u32 v35, v1;
	[tilespmem:v33+s13+$0x0] =	vst.idx.msk $0xffff, v34  }
0x64: {  	v33 =	vbroadcast v44, $0x0;
	v34 =	vld [tilespmem:s21+$0x0];
	_ =	sdelay $0x1  }
0x65: {  	v45 =	vadd.s32 v17, v33;
	_ =	sdelay $0x2  }
0x66: {  	v34 =	vmul.f32 $8.000000000e+00, v34;
	_ =	sdelay $0x1  }
0x67: {  	[tilespmem:v45+s13+$0x0] =	vst.idx.msk $0xffff, v34  }
0x68: {  	v34 =	vld [tilespmem:s21+$0x10];
	_ =	sdelay $0x1  }
0x69: {  	v46 =	vadd.s32 v18, v33;
	_ =	sdelay $0x2  }
0x6a: {  	v34 =	vmul.f32 $8.000000000e+00, v34;
	_ =	sdelay $0x1  }
0x6b: {  	[tilespmem:v46+s13+$0x0] =	vst.idx.msk $0xffff, v34  }
0x6c: {  	v34 =	vld [tilespmem:s21+$0x20];
	_ =	sdelay $0x1  }
0x6d: {  	v47 =	vadd.s32 v19, v33;
	_ =	sdelay $0x2  }
0x6e: {  	v34 =	vmul.f32 $8.000000000e+00, v34;
	_ =	sdelay $0x1  }
0x6f: {  	[tilespmem:v47+s13+$0x0] =	vst.idx.msk $0xffff, v34  }
0x70: {  	v34 =	vld [tilespmem:s21+$0x30];
	_ =	sdelay $0x1  }
0x71: {  	v33 =	vadd.s32 v20, v33;
	_ =	sdelay $0x1  }
0x72: {  	s28 =	simm.s32 $0x5  }
0x73: {  	v48 =	vmov s28;
	v34 =	vmul.f32 $8.000000000e+00, v34  }
0x74: {  	v35 =	vshrl.u32 v48, $0x3  }
0x75: {  	v49 =	vshll.u32 v35, v1;
	[tilespmem:v33+s13+$0x0] =	vst.idx.msk $0xffff, v34  }
0x76: {  	v33 =	vbroadcast v49, $0x0;
	v34 =	vld [tilespmem:s21+$0x40];
	_ =	sdelay $0x1  }
0x77: {  	v50 =	vadd.s32 v21, v33;
	_ =	sdelay $0x2  }
0x78: {  	v34 =	vmul.f32 $8.000000000e+00, v34;
	_ =	sdelay $0x1  }
0x79: {  	[tilespmem:v50+s13+$0x0] =	vst.idx.msk $0xffff, v34  }
0x7a: {  	v34 =	vld [tilespmem:s21+$0x50];
	_ =	sdelay $0x1  }
0x7b: {  	v51 =	vadd.s32 v22, v33;
	_ =	sdelay $0x2  }
0x7c: {  	v34 =	vmul.f32 $8.000000000e+00, v34;
	_ =	sdelay $0x1  }
0x7d: {  	[tilespmem:v51+s13+$0x0] =	vst.idx.msk $0xffff, v34  }
0x7e: {  	v34 =	vld [tilespmem:s21+$0x60];
	_ =	sdelay $0x1  }
0x7f: {  	v52 =	vadd.s32 v23, v33;
	_ =	sdelay $0x2  }
0x80: {  	v34 =	vmul.f32 $8.000000000e+00, v34;
	_ =	sdelay $0x1  }
0x81: {  	[tilespmem:v52+s13+$0x0] =	vst.idx.msk $0xffff, v34  }
0x82: {  	v34 =	vld [tilespmem:s21+$0x70];
	_ =	sdelay $0x1  }
0x83: {  	v33 =	vadd.s32 v24, v33;
	_ =	sdelay $0x1  }
0x84: {  	s29 =	simm.s32 $0x6  }
0x85: {  	v53 =	vmov s29;
	v34 =	vmul.f32 $8.000000000e+00, v34  }
0x86: {  	v35 =	vshrl.u32 v53, $0x3  }
0x87: {  	v54 =	vshll.u32 v35, v1;
	[tilespmem:v33+s13+$0x0] =	vst.idx.msk $0xffff, v34  }
0x88: {  	v33 =	vbroadcast v54, $0x0;
	v34 =	vld [tilespmem:s21+$0x80];
	_ =	sdelay $0x1  }
0x89: {  	v55 =	vadd.s32 v25, v33;
	_ =	sdelay $0x2  }
0x8a: {  	v34 =	vmul.f32 $8.000000000e+00, v34;
	_ =	sdelay $0x1  }
0x8b: {  	[tilespmem:v55+s13+$0x0] =	vst.idx.msk $0xffff, v34  }
0x8c: {  	v34 =	vld [tilespmem:s21+$0x90];
	_ =	sdelay $0x1  }
0x8d: {  	v56 =	vadd.s32 v26, v33;
	_ =	sdelay $0x2  }
0x8e: {  	v34 =	vmul.f32 $8.000000000e+00, v34;
	_ =	sdelay $0x1  }
0x8f: {  	[tilespmem:v56+s13+$0x0] =	vst.idx.msk $0xffff, v34  }
0x90: {  	v34 =	vld [tilespmem:s21+$0xA0];
	_ =	sdelay $0x1  }
0x91: {  	v57 =	vadd.s32 v27, v33;
	_ =	sdelay $0x2  }
0x92: {  	v34 =	vmul.f32 $8.000000000e+00, v34;
	_ =	sdelay $0x1  }
0x93: {  	[tilespmem:v57+s13+$0x0] =	vst.idx.msk $0xffff, v34  }
0x94: {  	v34 =	vld [tilespmem:s21+$0xB0];
	_ =	sdelay $0x1  }
0x95: {  	v33 =	vadd.s32 v28, v33;
	_ =	sdelay $0x1  }
0x96: {  	s30 =	simm.s32 $0x7  }
0x97: {  	v58 =	vmov s30;
	v34 =	vmul.f32 $8.000000000e+00, v34  }
0x98: {  	v35 =	vshrl.u32 v58, $0x3  }
0x99: {  	v59 =	vshll.u32 v35, v1;
	[tilespmem:v33+s13+$0x0] =	vst.idx.msk $0xffff, v34  }
0x9a: {  	v33 =	vbroadcast v59, $0x0;
	v34 =	vld [tilespmem:s21+$0xC0];
	_ =	sdelay $0x1  }
0x9b: {  	v60 =	vadd.s32 v29, v33;
	_ =	sdelay $0x2  }
0x9c: {  	v34 =	vmul.f32 $8.000000000e+00, v34;
	_ =	sdelay $0x1  }
0x9d: {  	[tilespmem:v60+s13+$0x0] =	vst.idx.msk $0xffff, v34  }
0x9e: {  	v34 =	vld [tilespmem:s21+$0xD0];
	_ =	sdelay $0x1  }
0x9f: {  	v61 =	vadd.s32 v30, v33;
	_ =	sdelay $0x2  }
0xa0: {  	v34 =	vmul.f32 $8.000000000e+00, v34;
	_ =	sdelay $0x1  }
0xa1: {  	[tilespmem:v61+s13+$0x0] =	vst.idx.msk $0xffff, v34  }
0xa2: {  	v34 =	vld [tilespmem:s21+$0xE0];
	_ =	sdelay $0x1  }
0xa3: {  	v62 =	vadd.s32 v31, v33;
	_ =	sdelay $0x2  }
0xa4: {  	v34 =	vmul.f32 $8.000000000e+00, v34;
	_ =	sdelay $0x1  }
0xa5: {  	[tilespmem:v62+s13+$0x0] =	vst.idx.msk $0xffff, v34  }
0xa6: {  	v34 =	vld [tilespmem:s21+$0xF0];
	_ =	sdelay $0x1  }
0xa7: {  	v33 =	vadd.s32 v32, v33  }
0xa8: {  	s31 =	sshll.u32 s19, $0x1;
	s24 =	simm.s32 $0x8  }
0xa9: {  	s22 =	sadd.s32 s6, s31;
	v63 =	vmov s24  }
0xaa: {  	s25 =	simm.s32 $0x10;
	s23 =	sand.u32 $0x3E, s22;
	v35 =	vshrl.u32 v63, $0x3;
	v34 =	vmul.f32 $8.000000000e+00, v34  }
.LBB2_3:
0xab: {  	p0 =	slt.u32 s25, $0x78  }
0xac: {  	v35 =	vshll.u32 v35, v1;
	[tilespmem:v33+s13+$0x0] =	vst.idx.msk $0xffff, v34;
	s21 =	sadd.s32 $0x200, s21;
	s26 =	smov.u32 s25;
	s25 =	sadd.s32 $0x8, s25  }
0xad: {  	v33 =	vld [tilespmem:s21+$0xFFFFFF00];
	v34 =	vbroadcast v35, $0x0;
	_ =	sdelay $0x1  }
0xae: {  	v35 =	vadd.s32 v0, v34;
	_ =	sdelay $0x2  }
0xaf: {  	v33 =	vmul.f32 $8.000000000e+00, v33;
	_ =	sdelay $0x1  }
0xb0: {  	[tilespmem:v35+s13+$0x0] =	vst.idx.msk $0xffff, v33  }
0xb1: {  	v33 =	vld [tilespmem:s21+$0xFFFFFF10];
	_ =	sdelay $0x1  }
0xb2: {  	v35 =	vadd.s32 v2, v34;
	_ =	sdelay $0x2  }
0xb3: {  	v33 =	vmul.f32 $8.000000000e+00, v33;
	_ =	sdelay $0x1  }
0xb4: {  	[tilespmem:v35+s13+$0x0] =	vst.idx.msk $0xffff, v33  }
0xb5: {  	v33 =	vld [tilespmem:s21+$0xFFFFFF20];
	_ =	sdelay $0x1  }
0xb6: {  	v35 =	vadd.s32 v3, v34;
	_ =	sdelay $0x2  }
0xb7: {  	v33 =	vmul.f32 $8.000000000e+00, v33;
	_ =	sdelay $0x1  }
0xb8: {  	[tilespmem:v35+s13+$0x0] =	vst.idx.msk $0xffff, v33  }
0xb9: {  	v33 =	vld [tilespmem:s21+$0xFFFFFF30];
	_ =	sdelay $0x1  }
0xba: {  	v34 =	vadd.s32 v4, v34;
	_ =	sdelay $0x1  }
0xbb: {  	s28 =	sadd.s32 $0x1, s24  }
0xbc: {  	v35 =	vmov s28;
	v33 =	vmul.f32 $8.000000000e+00, v33  }
0xbd: {  	v35 =	vshrl.u32 v35, $0x3  }
0xbe: {  	[tilespmem:v34+s13+$0x0] =	vst.idx.msk $0xffff, v33;
	v33 =	vshll.u32 v35, v1  }
0xbf: {  	v34 =	vld [tilespmem:s21+$0xFFFFFF40];
	v33 =	vbroadcast v33, $0x0;
	_ =	sdelay $0x1  }
0xc0: {  	v35 =	vadd.s32 v5, v33;
	_ =	sdelay $0x2  }
0xc1: {  	v34 =	vmul.f32 $8.000000000e+00, v34;
	_ =	sdelay $0x1  }
0xc2: {  	[tilespmem:v35+s13+$0x0] =	vst.idx.msk $0xffff, v34  }
0xc3: {  	v34 =	vld [tilespmem:s21+$0xFFFFFF50];
	_ =	sdelay $0x1  }
0xc4: {  	v35 =	vadd.s32 v6, v33;
	_ =	sdelay $0x2  }
0xc5: {  	v34 =	vmul.f32 $8.000000000e+00, v34;
	_ =	sdelay $0x1  }
0xc6: {  	[tilespmem:v35+s13+$0x0] =	vst.idx.msk $0xffff, v34  }
0xc7: {  	v34 =	vld [tilespmem:s21+$0xFFFFFF60];
	_ =	sdelay $0x1  }
0xc8: {  	v35 =	vadd.s32 v7, v33;
	_ =	sdelay $0x2  }
0xc9: {  	v34 =	vmul.f32 $8.000000000e+00, v34;
	_ =	sdelay $0x1  }
0xca: {  	[tilespmem:v35+s13+$0x0] =	vst.idx.msk $0xffff, v34  }
0xcb: {  	v34 =	vld [tilespmem:s21+$0xFFFFFF70];
	_ =	sdelay $0x1  }
0xcc: {  	v33 =	vadd.s32 v8, v33;
	_ =	sdelay $0x1  }
0xcd: {  	s28 =	sadd.s32 $0x2, s24  }
0xce: {  	v35 =	vmov s28;
	v34 =	vmul.f32 $8.000000000e+00, v34  }
0xcf: {  	v35 =	vshrl.u32 v35, $0x3  }
0xd0: {  	[tilespmem:v33+s13+$0x0] =	vst.idx.msk $0xffff, v34;
	v33 =	vshll.u32 v35, v1  }
0xd1: {  	v34 =	vld [tilespmem:s21+$0xFFFFFF80];
	v33 =	vbroadcast v33, $0x0;
	_ =	sdelay $0x1  }
0xd2: {  	v35 =	vadd.s32 v9, v33;
	_ =	sdelay $0x2  }
0xd3: {  	v34 =	vmul.f32 $8.000000000e+00, v34;
	_ =	sdelay $0x1  }
0xd4: {  	[tilespmem:v35+s13+$0x0] =	vst.idx.msk $0xffff, v34  }
0xd5: {  	v34 =	vld [tilespmem:s21+$0xFFFFFF90];
	_ =	sdelay $0x1  }
0xd6: {  	v35 =	vadd.s32 v10, v33;
	_ =	sdelay $0x2  }
0xd7: {  	v34 =	vmul.f32 $8.000000000e+00, v34;
	_ =	sdelay $0x1  }
0xd8: {  	[tilespmem:v35+s13+$0x0] =	vst.idx.msk $0xffff, v34  }
0xd9: {  	v34 =	vld [tilespmem:s21+$0xFFFFFFA0];
	_ =	sdelay $0x1  }
0xda: {  	v35 =	vadd.s32 v11, v33;
	_ =	sdelay $0x2  }
0xdb: {  	v34 =	vmul.f32 $8.000000000e+00, v34;
	_ =	sdelay $0x1  }
0xdc: {  	[tilespmem:v35+s13+$0x0] =	vst.idx.msk $0xffff, v34  }
0xdd: {  	v34 =	vld [tilespmem:s21+$0xFFFFFFB0];
	_ =	sdelay $0x1  }
0xde: {  	v33 =	vadd.s32 v12, v33;
	_ =	sdelay $0x1  }
0xdf: {  	s28 =	sadd.s32 $0x3, s24  }
0xe0: {  	v35 =	vmov s28;
	v34 =	vmul.f32 $8.000000000e+00, v34  }
0xe1: {  	v35 =	vshrl.u32 v35, $0x3  }
0xe2: {  	[tilespmem:v33+s13+$0x0] =	vst.idx.msk $0xffff, v34;
	v33 =	vshll.u32 v35, v1  }
0xe3: {  	v34 =	vld [tilespmem:s21+$0xFFFFFFC0];
	v33 =	vbroadcast v33, $0x0;
	_ =	sdelay $0x1  }
0xe4: {  	v35 =	vadd.s32 v13, v33;
	_ =	sdelay $0x2  }
0xe5: {  	v34 =	vmul.f32 $8.000000000e+00, v34;
	_ =	sdelay $0x1  }
0xe6: {  	[tilespmem:v35+s13+$0x0] =	vst.idx.msk $0xffff, v34  }
0xe7: {  	v34 =	vld [tilespmem:s21+$0xFFFFFFD0];
	_ =	sdelay $0x1  }
0xe8: {  	v35 =	vadd.s32 v14, v33;
	_ =	sdelay $0x2  }
0xe9: {  	v34 =	vmul.f32 $8.000000000e+00, v34;
	_ =	sdelay $0x1  }
0xea: {  	[tilespmem:v35+s13+$0x0] =	vst.idx.msk $0xffff, v34  }
0xeb: {  	v34 =	vld [tilespmem:s21+$0xFFFFFFE0];
	_ =	sdelay $0x1  }
0xec: {  	v35 =	vadd.s32 v15, v33;
	_ =	sdelay $0x2  }
0xed: {  	v34 =	vmul.f32 $8.000000000e+00, v34;
	_ =	sdelay $0x1  }
0xee: {  	[tilespmem:v35+s13+$0x0] =	vst.idx.msk $0xffff, v34  }
0xef: {  	v34 =	vld [tilespmem:s21+$0xFFFFFFF0];
	_ =	sdelay $0x1  }
0xf0: {  	v33 =	vadd.s32 v16, v33;
	_ =	sdelay $0x1  }
0xf1: {  	s28 =	sadd.s32 $0x4, s24  }
0xf2: {  	v35 =	vmov s28;
	v34 =	vmul.f32 $8.000000000e+00, v34  }
0xf3: {  	v35 =	vshrl.u32 v35, $0x3  }
0xf4: {  	[tilespmem:v33+s13+$0x0] =	vst.idx.msk $0xffff, v34;
	v33 =	vshll.u32 v35, v1  }
0xf5: {  	v34 =	vld [tilespmem:s21+$0x0];
	v33 =	vbroadcast v33, $0x0;
	_ =	sdelay $0x1  }
0xf6: {  	v35 =	vadd.s32 v17, v33;
	_ =	sdelay $0x2  }
0xf7: {  	v34 =	vmul.f32 $8.000000000e+00, v34;
	_ =	sdelay $0x1  }
0xf8: {  	[tilespmem:v35+s13+$0x0] =	vst.idx.msk $0xffff, v34  }
0xf9: {  	v34 =	vld [tilespmem:s21+$0x10];
	_ =	sdelay $0x1  }
0xfa: {  	v35 =	vadd.s32 v18, v33;
	_ =	sdelay $0x2  }
0xfb: {  	v34 =	vmul.f32 $8.000000000e+00, v34;
	_ =	sdelay $0x1  }
0xfc: {  	[tilespmem:v35+s13+$0x0] =	vst.idx.msk $0xffff, v34  }
0xfd: {  	v34 =	vld [tilespmem:s21+$0x20];
	_ =	sdelay $0x1  }
0xfe: {  	v35 =	vadd.s32 v19, v33;
	_ =	sdelay $0x2  }
0xff: {  	v34 =	vmul.f32 $8.000000000e+00, v34;
	_ =	sdelay $0x1  }
0x100: {  	[tilespmem:v35+s13+$0x0] =	vst.idx.msk $0xffff, v34  }
0x101: {  	v34 =	vld [tilespmem:s21+$0x30];
	_ =	sdelay $0x1  }
0x102: {  	v33 =	vadd.s32 v20, v33;
	_ =	sdelay $0x1  }
0x103: {  	s28 =	sadd.s32 $0x5, s24  }
0x104: {  	v35 =	vmov s28;
	v34 =	vmul.f32 $8.000000000e+00, v34  }
0x105: {  	v35 =	vshrl.u32 v35, $0x3  }
0x106: {  	[tilespmem:v33+s13+$0x0] =	vst.idx.msk $0xffff, v34;
	v33 =	vshll.u32 v35, v1  }
0x107: {  	v34 =	vld [tilespmem:s21+$0x40];
	v33 =	vbroadcast v33, $0x0;
	_ =	sdelay $0x1  }
0x108: {  	v35 =	vadd.s32 v21, v33;
	_ =	sdelay $0x2  }
0x109: {  	v34 =	vmul.f32 $8.000000000e+00, v34;
	_ =	sdelay $0x1  }
0x10a: {  	[tilespmem:v35+s13+$0x0] =	vst.idx.msk $0xffff, v34  }
0x10b: {  	v34 =	vld [tilespmem:s21+$0x50];
	_ =	sdelay $0x1  }
0x10c: {  	v35 =	vadd.s32 v22, v33;
	_ =	sdelay $0x2  }
0x10d: {  	v34 =	vmul.f32 $8.000000000e+00, v34;
	_ =	sdelay $0x1  }
0x10e: {  	[tilespmem:v35+s13+$0x0] =	vst.idx.msk $0xffff, v34  }
0x10f: {  	v34 =	vld [tilespmem:s21+$0x60];
	_ =	sdelay $0x1  }
0x110: {  	v35 =	vadd.s32 v23, v33;
	_ =	sdelay $0x2  }
0x111: {  	v34 =	vmul.f32 $8.000000000e+00, v34;
	_ =	sdelay $0x1  }
0x112: {  	[tilespmem:v35+s13+$0x0] =	vst.idx.msk $0xffff, v34  }
0x113: {  	v34 =	vld [tilespmem:s21+$0x70];
	_ =	sdelay $0x1  }
0x114: {  	v33 =	vadd.s32 v24, v33;
	_ =	sdelay $0x1  }
0x115: {  	s28 =	sadd.s32 $0x6, s24  }
0x116: {  	v35 =	vmov s28;
	v34 =	vmul.f32 $8.000000000e+00, v34  }
0x117: {  	v35 =	vshrl.u32 v35, $0x3  }
0x118: {  	[tilespmem:v33+s13+$0x0] =	vst.idx.msk $0xffff, v34;
	v33 =	vshll.u32 v35, v1  }
0x119: {  	v34 =	vld [tilespmem:s21+$0x80];
	v33 =	vbroadcast v33, $0x0;
	_ =	sdelay $0x1  }
0x11a: {  	v35 =	vadd.s32 v25, v33;
	_ =	sdelay $0x2  }
0x11b: {  	v34 =	vmul.f32 $8.000000000e+00, v34;
	_ =	sdelay $0x1  }
0x11c: {  	[tilespmem:v35+s13+$0x0] =	vst.idx.msk $0xffff, v34  }
0x11d: {  	v34 =	vld [tilespmem:s21+$0x90];
	_ =	sdelay $0x1  }
0x11e: {  	v35 =	vadd.s32 v26, v33;
	_ =	sdelay $0x2  }
0x11f: {  	v34 =	vmul.f32 $8.000000000e+00, v34;
	_ =	sdelay $0x1  }
0x120: {  	[tilespmem:v35+s13+$0x0] =	vst.idx.msk $0xffff, v34  }
0x121: {  	v34 =	vld [tilespmem:s21+$0xA0];
	_ =	sdelay $0x1  }
0x122: {  	v35 =	vadd.s32 v27, v33;
	_ =	sdelay $0x2  }
0x123: {  	v34 =	vmul.f32 $8.000000000e+00, v34;
	_ =	sdelay $0x1  }
0x124: {  	[tilespmem:v35+s13+$0x0] =	vst.idx.msk $0xffff, v34  }
0x125: {  	v34 =	vld [tilespmem:s21+$0xB0];
	_ =	sdelay $0x1  }
0x126: {  	v33 =	vadd.s32 v28, v33;
	_ =	sdelay $0x1  }
0x127: {  	s28 =	sadd.s32 $0x7, s24;
	s24 =	smov.u32 s26  }
0x128: {  	v35 =	vmov s28;
	v34 =	vmul.f32 $8.000000000e+00, v34  }
0x129: {  	v35 =	vshrl.u32 v35, $0x3  }
0x12a: {  	[tilespmem:v33+s13+$0x0] =	vst.idx.msk $0xffff, v34;
	v33 =	vshll.u32 v35, v1  }
0x12b: {  	v34 =	vld [tilespmem:s21+$0xC0];
	v33 =	vbroadcast v33, $0x0;
	_ =	sdelay $0x1  }
0x12c: {  	v35 =	vadd.s32 v29, v33;
	_ =	sdelay $0x2  }
0x12d: {  	v34 =	vmul.f32 $8.000000000e+00, v34;
	_ =	sdelay $0x1  }
0x12e: {  	[tilespmem:v35+s13+$0x0] =	vst.idx.msk $0xffff, v34  }
0x12f: {  	v34 =	vld [tilespmem:s21+$0xD0];
	_ =	sdelay $0x1  }
0x130: {  	v35 =	vadd.s32 v30, v33;
	_ =	sdelay $0x2  }
0x131: {  	v34 =	vmul.f32 $8.000000000e+00, v34;
	_ =	sdelay $0x1  }
0x132: {  	[tilespmem:v35+s13+$0x0] =	vst.idx.msk $0xffff, v34  }
0x133: {  	v34 =	vld [tilespmem:s21+$0xE0];
	_ =	sdelay $0x1  }
0x134: {  	v35 =	vadd.s32 v31, v33;
	_ =	sdelay $0x2  }
0x135: {  	v34 =	vmul.f32 $8.000000000e+00, v34;
	_ =	sdelay $0x1  }
0x136: {  	[tilespmem:v35+s13+$0x0] =	vst.idx.msk $0xffff, v34  }
0x137: {  	v34 =	vld [tilespmem:s21+$0xF0];
	_ =	sdelay $0x1  }
.Ltmp0:
0x138: {  	v33 =	vadd.s32 v32, v33;
	(pc) =	sbr.rel @p0 .LBB2_3-.Ltmp0, $3  }
0x139: {  	_ =	sdelay $0x1  }
0x13a: {  	v35 =	vmov s24;
	v34 =	vmul.f32 $8.000000000e+00, v34  }
0x13b: {  	v35 =	vshrl.u32 v35, $0x3  }
0x13c: {  	_ =	sdelay $0x3  }
0x13d: {  	v35 =	vshll.u32 v35, v1;
	[tilespmem:v33+s13+$0x0] =	vst.idx.msk $0xffff, v34;
	s21 =	sadd.s32 $0x200, s21  }
0x13e: {  	v33 =	vld [tilespmem:s21+$0xFFFFFF00];
	v54 =	vbroadcast v35, $0x0;
	_ =	sdelay $0x1  }
0x13f: {  	v35 =	vadd.s32 v0, v54;
	_ =	sdelay $0x2  }
0x140: {  	v33 =	vmul.f32 $8.000000000e+00, v33;
	_ =	sdelay $0x1  }
0x141: {  	[tilespmem:v35+s13+$0x0] =	vst.idx.msk $0xffff, v33  }
0x142: {  	v33 =	vld [tilespmem:s21+$0xFFFFFF10];
	_ =	sdelay $0x1  }
0x143: {  	v55 =	vadd.s32 v2, v54;
	_ =	sdelay $0x2  }
0x144: {  	v33 =	vmul.f32 $8.000000000e+00, v33;
	_ =	sdelay $0x1  }
0x145: {  	[tilespmem:v55+s13+$0x0] =	vst.idx.msk $0xffff, v33  }
0x146: {  	v33 =	vld [tilespmem:s21+$0xFFFFFF20];
	_ =	sdelay $0x1  }
0x147: {  	v56 =	vadd.s32 v3, v54;
	_ =	sdelay $0x2  }
0x148: {  	v33 =	vmul.f32 $8.000000000e+00, v33;
	_ =	sdelay $0x1  }
0x149: {  	[tilespmem:v56+s13+$0x0] =	vst.idx.msk $0xffff, v33  }
0x14a: {  	v33 =	vld [tilespmem:s21+$0xFFFFFF30];
	_ =	sdelay $0x1  }
0x14b: {  	v34 =	vadd.s32 v4, v54;
	_ =	sdelay $0x1  }
0x14c: {  	s25 =	sadd.s32 $0x1, s24  }
0x14d: {  	v57 =	vmov s25;
	v33 =	vmul.f32 $8.000000000e+00, v33  }
0x14e: {  	v35 =	vshrl.u32 v57, $0x3  }
0x14f: {  	v58 =	vshll.u32 v35, v1;
	[tilespmem:v34+s13+$0x0] =	vst.idx.msk $0xffff, v33  }
0x150: {  	v33 =	vbroadcast v58, $0x0;
	v34 =	vld [tilespmem:s21+$0xFFFFFF40];
	_ =	sdelay $0x1  }
0x151: {  	v59 =	vadd.s32 v5, v33;
	_ =	sdelay $0x2  }
0x152: {  	v34 =	vmul.f32 $8.000000000e+00, v34;
	_ =	sdelay $0x1  }
0x153: {  	[tilespmem:v59+s13+$0x0] =	vst.idx.msk $0xffff, v34  }
0x154: {  	v34 =	vld [tilespmem:s21+$0xFFFFFF50];
	_ =	sdelay $0x1  }
0x155: {  	v60 =	vadd.s32 v6, v33;
	_ =	sdelay $0x2  }
0x156: {  	v34 =	vmul.f32 $8.000000000e+00, v34;
	_ =	sdelay $0x1  }
0x157: {  	[tilespmem:v60+s13+$0x0] =	vst.idx.msk $0xffff, v34  }
0x158: {  	v34 =	vld [tilespmem:s21+$0xFFFFFF60];
	_ =	sdelay $0x1  }
0x159: {  	v61 =	vadd.s32 v7, v33;
	_ =	sdelay $0x2  }
0x15a: {  	v34 =	vmul.f32 $8.000000000e+00, v34;
	_ =	sdelay $0x1  }
0x15b: {  	[tilespmem:v61+s13+$0x0] =	vst.idx.msk $0xffff, v34  }
0x15c: {  	v34 =	vld [tilespmem:s21+$0xFFFFFF70];
	_ =	sdelay $0x1  }
0x15d: {  	v33 =	vadd.s32 v8, v33;
	_ =	sdelay $0x1  }
0x15e: {  	s29 =	sadd.s32 $0x2, s24  }
0x15f: {  	v62 =	vmov s29;
	v34 =	vmul.f32 $8.000000000e+00, v34  }
0x160: {  	v35 =	vshrl.u32 v62, $0x3  }
0x161: {  	v63 =	vshll.u32 v35, v1;
	[tilespmem:v33+s13+$0x0] =	vst.idx.msk $0xffff, v34  }
0x162: {  	v33 =	vbroadcast v63, $0x0;
	v34 =	vld [tilespmem:s21+$0xFFFFFF80];
	_ =	sdelay $0x1  }
0x163: {  	v36 =	vadd.s32 v9, v33;
	_ =	sdelay $0x2  }
0x164: {  	v34 =	vmul.f32 $8.000000000e+00, v34;
	_ =	sdelay $0x1  }
0x165: {  	[tilespmem:v36+s13+$0x0] =	vst.idx.msk $0xffff, v34  }
0x166: {  	v34 =	vld [tilespmem:s21+$0xFFFFFF90];
	_ =	sdelay $0x1  }
0x167: {  	v37 =	vadd.s32 v10, v33;
	_ =	sdelay $0x2  }
0x168: {  	v34 =	vmul.f32 $8.000000000e+00, v34;
	_ =	sdelay $0x1  }
0x169: {  	[tilespmem:v37+s13+$0x0] =	vst.idx.msk $0xffff, v34  }
0x16a: {  	v34 =	vld [tilespmem:s21+$0xFFFFFFA0];
	_ =	sdelay $0x1  }
0x16b: {  	v38 =	vadd.s32 v11, v33;
	_ =	sdelay $0x2  }
0x16c: {  	v34 =	vmul.f32 $8.000000000e+00, v34;
	_ =	sdelay $0x1  }
0x16d: {  	[tilespmem:v38+s13+$0x0] =	vst.idx.msk $0xffff, v34  }
0x16e: {  	v34 =	vld [tilespmem:s21+$0xFFFFFFB0];
	_ =	sdelay $0x1  }
0x16f: {  	v33 =	vadd.s32 v12, v33;
	_ =	sdelay $0x1  }
0x170: {  	s30 =	sadd.s32 $0x3, s24  }
0x171: {  	v39 =	vmov s30;
	v34 =	vmul.f32 $8.000000000e+00, v34  }
0x172: {  	v35 =	vshrl.u32 v39, $0x3  }
0x173: {  	v40 =	vshll.u32 v35, v1;
	[tilespmem:v33+s13+$0x0] =	vst.idx.msk $0xffff, v34  }
0x174: {  	v33 =	vbroadcast v40, $0x0;
	v34 =	vld [tilespmem:s21+$0xFFFFFFC0];
	_ =	sdelay $0x1  }
0x175: {  	v41 =	vadd.s32 v13, v33;
	_ =	sdelay $0x2  }
0x176: {  	v34 =	vmul.f32 $8.000000000e+00, v34;
	_ =	sdelay $0x1  }
0x177: {  	[tilespmem:v41+s13+$0x0] =	vst.idx.msk $0xffff, v34  }
0x178: {  	v34 =	vld [tilespmem:s21+$0xFFFFFFD0];
	_ =	sdelay $0x1  }
0x179: {  	v42 =	vadd.s32 v14, v33;
	_ =	sdelay $0x2  }
0x17a: {  	v34 =	vmul.f32 $8.000000000e+00, v34;
	_ =	sdelay $0x1  }
0x17b: {  	[tilespmem:v42+s13+$0x0] =	vst.idx.msk $0xffff, v34  }
0x17c: {  	v34 =	vld [tilespmem:s21+$0xFFFFFFE0];
	_ =	sdelay $0x1  }
0x17d: {  	v43 =	vadd.s32 v15, v33;
	_ =	sdelay $0x2  }
0x17e: {  	v34 =	vmul.f32 $8.000000000e+00, v34;
	_ =	sdelay $0x1  }
0x17f: {  	[tilespmem:v43+s13+$0x0] =	vst.idx.msk $0xffff, v34  }
0x180: {  	v34 =	vld [tilespmem:s21+$0xFFFFFFF0];
	_ =	sdelay $0x1  }
0x181: {  	v33 =	vadd.s32 v16, v33;
	_ =	sdelay $0x1  }
0x182: {  	s31 =	sadd.s32 $0x4, s24  }
0x183: {  	v44 =	vmov s31;
	v34 =	vmul.f32 $8.000000000e+00, v34  }
0x184: {  	v35 =	vshrl.u32 v44, $0x3  }
0x185: {  	v45 =	vshll.u32 v35, v1;
	[tilespmem:v33+s13+$0x0] =	vst.idx.msk $0xffff, v34  }
0x186: {  	v33 =	vbroadcast v45, $0x0;
	v34 =	vld [tilespmem:s21+$0x0];
	_ =	sdelay $0x1  }
0x187: {  	v46 =	vadd.s32 v17, v33;
	_ =	sdelay $0x2  }
0x188: {  	v34 =	vmul.f32 $8.000000000e+00, v34;
	_ =	sdelay $0x1  }
0x189: {  	[tilespmem:v46+s13+$0x0] =	vst.idx.msk $0xffff, v34  }
0x18a: {  	v34 =	vld [tilespmem:s21+$0x10];
	_ =	sdelay $0x1  }
0x18b: {  	v47 =	vadd.s32 v18, v33;
	_ =	sdelay $0x2  }
0x18c: {  	v34 =	vmul.f32 $8.000000000e+00, v34;
	_ =	sdelay $0x1  }
0x18d: {  	[tilespmem:v47+s13+$0x0] =	vst.idx.msk $0xffff, v34  }
0x18e: {  	v34 =	vld [tilespmem:s21+$0x20];
	_ =	sdelay $0x1  }
0x18f: {  	v48 =	vadd.s32 v19, v33;
	_ =	sdelay $0x2  }
0x190: {  	v34 =	vmul.f32 $8.000000000e+00, v34;
	_ =	sdelay $0x1  }
0x191: {  	[tilespmem:v48+s13+$0x0] =	vst.idx.msk $0xffff, v34  }
0x192: {  	v34 =	vld [tilespmem:s21+$0x30];
	_ =	sdelay $0x1  }
0x193: {  	v33 =	vadd.s32 v20, v33;
	_ =	sdelay $0x1  }
0x194: {  	s26 =	sadd.s32 $0x5, s24  }
0x195: {  	v49 =	vmov s26;
	v34 =	vmul.f32 $8.000000000e+00, v34  }
0x196: {  	v35 =	vshrl.u32 v49, $0x3  }
0x197: {  	v50 =	vshll.u32 v35, v1;
	[tilespmem:v33+s13+$0x0] =	vst.idx.msk $0xffff, v34  }
0x198: {  	v33 =	vbroadcast v50, $0x0;
	v34 =	vld [tilespmem:s21+$0x40];
	_ =	sdelay $0x1  }
0x199: {  	v51 =	vadd.s32 v21, v33;
	_ =	sdelay $0x2  }
0x19a: {  	v34 =	vmul.f32 $8.000000000e+00, v34;
	_ =	sdelay $0x1  }
0x19b: {  	[tilespmem:v51+s13+$0x0] =	vst.idx.msk $0xffff, v34  }
0x19c: {  	v34 =	vld [tilespmem:s21+$0x50];
	_ =	sdelay $0x1  }
0x19d: {  	v52 =	vadd.s32 v22, v33;
	_ =	sdelay $0x2  }
0x19e: {  	v34 =	vmul.f32 $8.000000000e+00, v34;
	_ =	sdelay $0x1  }
0x19f: {  	[tilespmem:v52+s13+$0x0] =	vst.idx.msk $0xffff, v34  }
0x1a0: {  	v34 =	vld [tilespmem:s21+$0x60];
	_ =	sdelay $0x1  }
0x1a1: {  	v53 =	vadd.s32 v23, v33;
	_ =	sdelay $0x2  }
0x1a2: {  	v34 =	vmul.f32 $8.000000000e+00, v34;
	_ =	sdelay $0x1  }
0x1a3: {  	[tilespmem:v53+s13+$0x0] =	vst.idx.msk $0xffff, v34  }
0x1a4: {  	v34 =	vld [tilespmem:s21+$0x70];
	_ =	sdelay $0x1  }
0x1a5: {  	v33 =	vadd.s32 v24, v33;
	_ =	sdelay $0x1  }
0x1a6: {  	s28 =	sadd.s32 $0x6, s24  }
0x1a7: {  	v54 =	vmov s28;
	v34 =	vmul.f32 $8.000000000e+00, v34  }
0x1a8: {  	v35 =	vshrl.u32 v54, $0x3  }
0x1a9: {  	v55 =	vshll.u32 v35, v1;
	[tilespmem:v33+s13+$0x0] =	vst.idx.msk $0xffff, v34  }
0x1aa: {  	v33 =	vbroadcast v55, $0x0;
	v34 =	vld [tilespmem:s21+$0x80];
	_ =	sdelay $0x1  }
0x1ab: {  	v56 =	vadd.s32 v25, v33;
	_ =	sdelay $0x2  }
0x1ac: {  	v34 =	vmul.f32 $8.000000000e+00, v34;
	_ =	sdelay $0x1  }
0x1ad: {  	[tilespmem:v56+s13+$0x0] =	vst.idx.msk $0xffff, v34  }
0x1ae: {  	v34 =	vld [tilespmem:s21+$0x90];
	_ =	sdelay $0x1  }
0x1af: {  	v57 =	vadd.s32 v26, v33;
	_ =	sdelay $0x2  }
0x1b0: {  	v34 =	vmul.f32 $8.000000000e+00, v34;
	_ =	sdelay $0x1  }
0x1b1: {  	[tilespmem:v57+s13+$0x0] =	vst.idx.msk $0xffff, v34  }
0x1b2: {  	v34 =	vld [tilespmem:s21+$0xA0];
	_ =	sdelay $0x1  }
0x1b3: {  	v58 =	vadd.s32 v27, v33;
	_ =	sdelay $0x2  }
0x1b4: {  	v34 =	vmul.f32 $8.000000000e+00, v34;
	_ =	sdelay $0x1  }
0x1b5: {  	[tilespmem:v58+s13+$0x0] =	vst.idx.msk $0xffff, v34  }
0x1b6: {  	v34 =	vld [tilespmem:s21+$0xB0];
	_ =	sdelay $0x1  }
0x1b7: {  	v33 =	vadd.s32 v28, v33;
	_ =	sdelay $0x1  }
0x1b8: {  	s29 =	sadd.s32 $0x7, s24  }
0x1b9: {  	v59 =	vmov s29;
	v34 =	vmul.f32 $8.000000000e+00, v34  }
0x1ba: {  	v35 =	vshrl.u32 v59, $0x3  }
0x1bb: {  	v60 =	vshll.u32 v35, v1;
	[tilespmem:v33+s13+$0x0] =	vst.idx.msk $0xffff, v34  }
0x1bc: {  	v33 =	vbroadcast v60, $0x0;
	v34 =	vld [tilespmem:s21+$0xC0];
	_ =	sdelay $0x1  }
0x1bd: {  	v61 =	vadd.s32 v29, v33;
	_ =	sdelay $0x2  }
0x1be: {  	v34 =	vmul.f32 $8.000000000e+00, v34;
	_ =	sdelay $0x1  }
0x1bf: {  	[tilespmem:v61+s13+$0x0] =	vst.idx.msk $0xffff, v34  }
0x1c0: {  	v34 =	vld [tilespmem:s21+$0xD0];
	_ =	sdelay $0x1  }
0x1c1: {  	v62 =	vadd.s32 v30, v33;
	_ =	sdelay $0x2  }
0x1c2: {  	v34 =	vmul.f32 $8.000000000e+00, v34;
	_ =	sdelay $0x1  }
0x1c3: {  	[tilespmem:v62+s13+$0x0] =	vst.idx.msk $0xffff, v34  }
0x1c4: {  	v34 =	vld [tilespmem:s21+$0xE0];
	_ =	sdelay $0x1  }
0x1c5: {  	v63 =	vadd.s32 v31, v33;
	_ =	sdelay $0x2  }
0x1c6: {  	v34 =	vmul.f32 $8.000000000e+00, v34;
	_ =	sdelay $0x1  }
0x1c7: {  	[tilespmem:v63+s13+$0x0] =	vst.idx.msk $0xffff, v34  }
0x1c8: {  	v34 =	vld [tilespmem:s21+$0xF0];
	_ =	sdelay $0x1  }
0x1c9: {  	v33 =	vadd.s32 v32, v33;
	_ =	sdelay $0x1  }
0x1ca: {  	s30 =	sshll.u32 s22, $0xA;
	s31 =	sshll.u32 s23, $0xD;
	s24 =	sshll.u32 s23, $0x4  }
0x1cb: {  	s22 =	sand.u32 $0xC000, s31;
	s23 =	sand.u32 $0x380, s24;
	s21 =	sand.u32 $0xFFF0000, s30;
	v34 =	vmul.f32 $8.000000000e+00, v34  }
0x1cc: {  	s25 =	sadd.s32 s2, s23;
	s21 =	sor.u32 s22, s21  }
0x1cd: {  	s26 =	simm.s32 $0x5900;
	s22 =	sadd.s32 s21, s25;
	[tilespmem:v33+s13+$0x0] =	vst.idx.msk $0xffff, v34  }
0x1ce: {  	[hbm4b:s22+s3] =	stream.linear.scatter [tilespmem:s26], [sflag:$0x3], $0x80, $0x38;
	[tilespmem:$0x9D00] =	vst v63  }
0x1cf: {  	s28 =	simm.s32 $0x5988;
	s29 =	sadd.s32 $0x10, s22  }
0x1d0: {  	[hbm4b:s29+s3] =	stream.linear.scatter [tilespmem:s28], [sflag:$0x3], $0x80, $0x38;
	[tilespmem:$0x9D00] =	vst v63  }
0x1d1: {  	s23 =	simm.s32 $0x5A98;
	s30 =	simm.s32 $0x5A10;
	s31 =	sadd.s32 $0x20, s22  }
0x1d2: {  	[hbm4b:s31+s3] =	stream.linear.scatter [tilespmem:s30], [sflag:$0x3], $0x80, $0x38;
	[tilespmem:$0x9D00] =	vst v63  }
0x1d3: {  	s25 =	simm.s32 $0x5B20;
	s21 =	simm.s32 $0x440;
	s24 =	sadd.s32 $0x30, s22  }
0x1d4: {  	[hbm4b:s24+s3] =	stream.linear.scatter [tilespmem:s23], [sflag:$0x3], $0x80, $0x38;
	[tilespmem:$0x9D00] =	vst v63  }
0x1d5: {  	s26 =	sadd.s32 $0x40, s22;
	s28 =	simm.s32 $0x5BA8;
	s29 =	sadd.s32 $0x50, s22  }
0x1d6: {  	[hbm4b:s26+s3] =	stream.linear.scatter [tilespmem:s25], [sflag:$0x3], $0x80, $0x38;
	[tilespmem:$0x9D00] =	vst v63  }
0x1d7: {  	s30 =	simm.s32 $0x5C30;
	s31 =	sadd.s32 $0x60, s22;
	s23 =	simm.s32 $0x2200  }
0x1d8: {  	[hbm4b:s29+s3] =	stream.linear.scatter [tilespmem:s28], [sflag:$0x3], $0x80, $0x38;
	[tilespmem:$0x9D00] =	vst v63  }
0x1d9: {  	s24 =	simm.s32 $0x5CB8;
	s25 =	sadd.s32 $0x70, s22;
	s22 =	sadd.s32 $0x400, s22  }
0x1da: {  	[hbm4b:s31+s3] =	stream.linear.scatter [tilespmem:s30], [sflag:$0x3], $0x80, $0x38;
	[tilespmem:$0x9D00] =	vst v63  }
.LBB2_5:
0x1db: {  	[hbm4b:s25+s3] =	stream.linear.scatter [tilespmem:s24], [sflag:$0x3], $0x80, $0x38;
	[tilespmem:$0x9D00] =	vst v63  }
0x1dc: {  	s24 =	smov.u32 s21;
	s21 =	smov.u32 s23  }
0x1dd: {  	s26 =	sadd.s32 $0x1100, s23;
	s21 =	sshra.s32 s21, $0x2;
	s25 =	sadd.s32 $0x5900, s24  }
0x1de: {  	[hbm4b:s22+s3] =	stream.linear.scatter [tilespmem:s25], [sflag:$0x3], $0x80, $0x38;
	[tilespmem:$0x9D00] =	vst v63  }
0x1df: {  	p0 =	sne.s32 s23, $0x7700;
	s23 =	sadd.s32 $0x5988, s24;
	s25 =	sadd.s32 $0x10, s22  }
0x1e0: {  	[hbm4b:s25+s3] =	stream.linear.scatter [tilespmem:s23], [sflag:$0x3], $0x80, $0x38;
	[tilespmem:$0x9D00] =	vst v63  }
0x1e1: {  	s23 =	sadd.s32 $0x5A10, s24;
	s25 =	sadd.s32 $0x20, s22  }
0x1e2: {  	[hbm4b:s25+s3] =	stream.linear.scatter [tilespmem:s23], [sflag:$0x3], $0x80, $0x38;
	[tilespmem:$0x9D00] =	vst v63  }
0x1e3: {  	s23 =	sadd.s32 $0x5A98, s24;
	s25 =	sadd.s32 $0x30, s22  }
0x1e4: {  	[hbm4b:s25+s3] =	stream.linear.scatter [tilespmem:s23], [sflag:$0x3], $0x80, $0x38;
	[tilespmem:$0x9D00] =	vst v63  }
0x1e5: {  	s23 =	sadd.s32 $0x5B20, s24;
	s25 =	sadd.s32 $0x40, s22  }
0x1e6: {  	[hbm4b:s25+s3] =	stream.linear.scatter [tilespmem:s23], [sflag:$0x3], $0x80, $0x38;
	[tilespmem:$0x9D00] =	vst v63  }
.Ltmp1:
0x1e7: {  	s23 =	sadd.s32 $0x5BA8, s24;
	s25 =	sadd.s32 $0x50, s22;
	(pc) =	sbr.rel @p0 .LBB2_5-.Ltmp1, $4  }
0x1e8: {  	[hbm4b:s25+s3] =	stream.linear.scatter [tilespmem:s23], [sflag:$0x3], $0x80, $0x38;
	[tilespmem:$0x9D00] =	vst v63  }
0x1e9: {  	s23 =	sadd.s32 $0x5C30, s24;
	s25 =	sadd.s32 $0x60, s22;
	s24 =	sadd.s32 $0x5CB8, s24  }
0x1ea: {  	[hbm4b:s25+s3] =	stream.linear.scatter [tilespmem:s23], [sflag:$0x3], $0x80, $0x38;
	[tilespmem:$0x9D00] =	vst v63  }
0x1eb: {  	s25 =	sadd.s32 $0x70, s22;
	s22 =	sadd.s32 $0x400, s22;
	s23 =	smov.u32 s26  }
0x1ec: {  	[hbm4b:s25+s3] =	stream.linear.scatter [tilespmem:s24], [sflag:$0x3], $0x80, $0x38;
	[tilespmem:$0x9D00] =	vst v63  }
0x1ed: {  	s23 =	sadd.s32 $0x5900, s21  }
0x1ee: {  	[hbm4b:s22+s3] =	stream.linear.scatter [tilespmem:s23], [sflag:$0x3], $0x80, $0x38;
	[tilespmem:$0x9D00] =	vst v63  }
0x1ef: {  	s30 =	sadd.s32 $0x5988, s21;
	s31 =	sadd.s32 $0x10, s22  }
0x1f0: {  	[hbm4b:s31+s3] =	stream.linear.scatter [tilespmem:s30], [sflag:$0x3], $0x80, $0x38;
	[tilespmem:$0x9D00] =	vst v63  }
0x1f1: {  	s25 =	sadd.s32 $0x5A10, s21;
	s26 =	sadd.s32 $0x20, s22  }
0x1f2: {  	[hbm4b:s26+s3] =	stream.linear.scatter [tilespmem:s25], [sflag:$0x3], $0x80, $0x38;
	[tilespmem:$0x9D00] =	vst v63  }
0x1f3: {  	s28 =	sadd.s32 $0x5A98, s21;
	s29 =	sadd.s32 $0x30, s22  }
0x1f4: {  	[hbm4b:s29+s3] =	stream.linear.scatter [tilespmem:s28], [sflag:$0x3], $0x80, $0x38;
	[tilespmem:$0x9D00] =	vst v63  }
0x1f5: {  	s30 =	sadd.s32 $0x5B20, s21;
	s31 =	sadd.s32 $0x40, s22  }
0x1f6: {  	[hbm4b:s31+s3] =	stream.linear.scatter [tilespmem:s30], [sflag:$0x3], $0x80, $0x38;
	[tilespmem:$0x9D00] =	vst v63  }
0x1f7: {  	s25 =	sadd.s32 $0x5BA8, s21;
	s26 =	sadd.s32 $0x50, s22  }
0x1f8: {  	[hbm4b:s26+s3] =	stream.linear.scatter [tilespmem:s25], [sflag:$0x3], $0x80, $0x38;
	[tilespmem:$0x9D00] =	vst v63  }
0x1f9: {  	s28 =	sadd.s32 $0x5C30, s21;
	s29 =	sadd.s32 $0x60, s22  }
0x1fa: {  	[hbm4b:s29+s3] =	stream.linear.scatter [tilespmem:s28], [sflag:$0x3], $0x80, $0x38;
	[tilespmem:$0x9D00] =	vst v63  }
0x1fb: {  	p0 =	seq.s32 s19, $0x18;
	s30 =	sadd.s32 $0x5CB8, s21;
	s31 =	sadd.s32 $0x70, s22  }
0x1fc: {  	[hbm4b:s31+s3] =	stream.linear.scatter [tilespmem:s30], [sflag:$0x3], $0x80, $0x38;
	[tilespmem:$0x9D00] =	vst v63  }
0x1fd: {  	p1 =	seq.s32 @!p0 s19, $0x0;
	s21 =	sshll.u32 @!p0 s19, $0x8;
	_ =	swait.ge [sflag:s14], $0x2000  }
0x1fe: {  	s23 =	simm.s32 @!p0 $0x1900;
	s21 =	sand.u32 @!p0 $0x3FFFFF00, s21;
	[sflag:s14] =	ssyncset.done $0x0  }
0x1ff: {  	s22 =	simm.s32 @!p0 $0x80;
	s21 =	sadd.s32 @!p0 $0x100, s21;
	[sflag:s14] =	ssyncadd.s32 $0xFFFFE000  }
0x200: {  	[tilespmem:s23], [sflag:$0x1] =	stream.indirect.gather @!p0 [hbm4b:s4+s22], $0x40, s21, s22, $0xb8;
	[tilespmem:$0x9D00] =	vst v63  }
0x201: {  	p0 =	por p0, !p1;
	s23 =	simm.s32 $0x0  }
0x202: {  	_ =	swait.ge @p0 [sflag:s17], $0x2000;
	v33 =	vmov s23  }
0x203: {  	[sflag:s17] =	ssyncset.done @p0 $0x0;
	v33 =	vshrl.u32 v33, $0x3  }
0x204: {  	s21 =	simm.s32 $0x3A00;
	[sflag:s17] =	ssyncadd.s32 @p0 $0xFFFFE000;
	v33 =	vshll.u32 v33, v1  }
0x205: {  	v34 =	vld [tilespmem:s21+$0xFFFFFF00];
	v33 =	vbroadcast v33, $0x0;
	_ =	sdelay $0x1  }
0x206: {  	v35 =	vadd.s32 v0, v33;
	_ =	sdelay $0x2  }
0x207: {  	v34 =	vmul.f32 $8.000000000e+00, v34;
	_ =	sdelay $0x1  }
0x208: {  	[tilespmem:v35+s15+$0x0] =	vst.idx.msk $0xffff, v34  }
0x209: {  	v34 =	vld [tilespmem:s21+$0xFFFFFF10];
	_ =	sdelay $0x1  }
0x20a: {  	v54 =	vadd.s32 v2, v33;
	_ =	sdelay $0x2  }
0x20b: {  	v34 =	vmul.f32 $8.000000000e+00, v34;
	_ =	sdelay $0x1  }
0x20c: {  	[tilespmem:v54+s15+$0x0] =	vst.idx.msk $0xffff, v34  }
0x20d: {  	v34 =	vld [tilespmem:s21+$0xFFFFFF20];
	_ =	sdelay $0x1  }
0x20e: {  	v55 =	vadd.s32 v3, v33;
	_ =	sdelay $0x2  }
0x20f: {  	v34 =	vmul.f32 $8.000000000e+00, v34;
	_ =	sdelay $0x1  }
0x210: {  	[tilespmem:v55+s15+$0x0] =	vst.idx.msk $0xffff, v34  }
0x211: {  	v34 =	vld [tilespmem:s21+$0xFFFFFF30];
	_ =	sdelay $0x1  }
0x212: {  	v33 =	vadd.s32 v4, v33;
	_ =	sdelay $0x1  }
0x213: {  	s24 =	simm.s32 $0x1  }
0x214: {  	v56 =	vmov s24;
	v34 =	vmul.f32 $8.000000000e+00, v34  }
0x215: {  	v35 =	vshrl.u32 v56, $0x3  }
0x216: {  	v57 =	vshll.u32 v35, v1;
	[tilespmem:v33+s15+$0x0] =	vst.idx.msk $0xffff, v34  }
0x217: {  	v33 =	vbroadcast v57, $0x0;
	v34 =	vld [tilespmem:s21+$0xFFFFFF40];
	_ =	sdelay $0x1  }
0x218: {  	v58 =	vadd.s32 v5, v33;
	_ =	sdelay $0x2  }
0x219: {  	v34 =	vmul.f32 $8.000000000e+00, v34;
	_ =	sdelay $0x1  }
0x21a: {  	[tilespmem:v58+s15+$0x0] =	vst.idx.msk $0xffff, v34  }
0x21b: {  	v34 =	vld [tilespmem:s21+$0xFFFFFF50];
	_ =	sdelay $0x1  }
0x21c: {  	v59 =	vadd.s32 v6, v33;
	_ =	sdelay $0x2  }
0x21d: {  	v34 =	vmul.f32 $8.000000000e+00, v34;
	_ =	sdelay $0x1  }
0x21e: {  	[tilespmem:v59+s15+$0x0] =	vst.idx.msk $0xffff, v34  }
0x21f: {  	v34 =	vld [tilespmem:s21+$0xFFFFFF60];
	_ =	sdelay $0x1  }
0x220: {  	v60 =	vadd.s32 v7, v33;
	_ =	sdelay $0x2  }
0x221: {  	v34 =	vmul.f32 $8.000000000e+00, v34;
	_ =	sdelay $0x1  }
0x222: {  	[tilespmem:v60+s15+$0x0] =	vst.idx.msk $0xffff, v34  }
0x223: {  	v34 =	vld [tilespmem:s21+$0xFFFFFF70];
	_ =	sdelay $0x1  }
0x224: {  	v33 =	vadd.s32 v8, v33;
	_ =	sdelay $0x1  }
0x225: {  	s25 =	simm.s32 $0x2  }
0x226: {  	v61 =	vmov s25;
	v34 =	vmul.f32 $8.000000000e+00, v34  }
0x227: {  	v35 =	vshrl.u32 v61, $0x3  }
0x228: {  	v62 =	vshll.u32 v35, v1;
	[tilespmem:v33+s15+$0x0] =	vst.idx.msk $0xffff, v34  }
0x229: {  	v33 =	vbroadcast v62, $0x0;
	v34 =	vld [tilespmem:s21+$0xFFFFFF80];
	_ =	sdelay $0x1  }
0x22a: {  	v63 =	vadd.s32 v9, v33;
	_ =	sdelay $0x2  }
0x22b: {  	v34 =	vmul.f32 $8.000000000e+00, v34;
	_ =	sdelay $0x1  }
0x22c: {  	[tilespmem:v63+s15+$0x0] =	vst.idx.msk $0xffff, v34  }
0x22d: {  	v34 =	vld [tilespmem:s21+$0xFFFFFF90];
	_ =	sdelay $0x1  }
0x22e: {  	v36 =	vadd.s32 v10, v33;
	_ =	sdelay $0x2  }
0x22f: {  	v34 =	vmul.f32 $8.000000000e+00, v34;
	_ =	sdelay $0x1  }
0x230: {  	[tilespmem:v36+s15+$0x0] =	vst.idx.msk $0xffff, v34  }
0x231: {  	v34 =	vld [tilespmem:s21+$0xFFFFFFA0];
	_ =	sdelay $0x1  }
0x232: {  	v37 =	vadd.s32 v11, v33;
	_ =	sdelay $0x2  }
0x233: {  	v34 =	vmul.f32 $8.000000000e+00, v34;
	_ =	sdelay $0x1  }
0x234: {  	[tilespmem:v37+s15+$0x0] =	vst.idx.msk $0xffff, v34  }
0x235: {  	v34 =	vld [tilespmem:s21+$0xFFFFFFB0];
	_ =	sdelay $0x1  }
0x236: {  	v33 =	vadd.s32 v12, v33;
	_ =	sdelay $0x1  }
0x237: {  	s26 =	simm.s32 $0x3  }
0x238: {  	v38 =	vmov s26;
	v34 =	vmul.f32 $8.000000000e+00, v34  }
0x239: {  	v35 =	vshrl.u32 v38, $0x3  }
0x23a: {  	v39 =	vshll.u32 v35, v1;
	[tilespmem:v33+s15+$0x0] =	vst.idx.msk $0xffff, v34  }
0x23b: {  	v33 =	vbroadcast v39, $0x0;
	v34 =	vld [tilespmem:s21+$0xFFFFFFC0];
	_ =	sdelay $0x1  }
0x23c: {  	v40 =	vadd.s32 v13, v33;
	_ =	sdelay $0x2  }
0x23d: {  	v34 =	vmul.f32 $8.000000000e+00, v34;
	_ =	sdelay $0x1  }
0x23e: {  	[tilespmem:v40+s15+$0x0] =	vst.idx.msk $0xffff, v34  }
0x23f: {  	v34 =	vld [tilespmem:s21+$0xFFFFFFD0];
	_ =	sdelay $0x1  }
0x240: {  	v41 =	vadd.s32 v14, v33;
	_ =	sdelay $0x2  }
0x241: {  	v34 =	vmul.f32 $8.000000000e+00, v34;
	_ =	sdelay $0x1  }
0x242: {  	[tilespmem:v41+s15+$0x0] =	vst.idx.msk $0xffff, v34  }
0x243: {  	v34 =	vld [tilespmem:s21+$0xFFFFFFE0];
	_ =	sdelay $0x1  }
0x244: {  	v42 =	vadd.s32 v15, v33;
	_ =	sdelay $0x2  }
0x245: {  	v34 =	vmul.f32 $8.000000000e+00, v34;
	_ =	sdelay $0x1  }
0x246: {  	[tilespmem:v42+s15+$0x0] =	vst.idx.msk $0xffff, v34  }
0x247: {  	v34 =	vld [tilespmem:s21+$0xFFFFFFF0];
	_ =	sdelay $0x1  }
0x248: {  	v33 =	vadd.s32 v16, v33;
	_ =	sdelay $0x1  }
0x249: {  	s28 =	simm.s32 $0x4  }
0x24a: {  	v43 =	vmov s28;
	v34 =	vmul.f32 $8.000000000e+00, v34  }
0x24b: {  	v35 =	vshrl.u32 v43, $0x3  }
0x24c: {  	v44 =	vshll.u32 v35, v1;
	[tilespmem:v33+s15+$0x0] =	vst.idx.msk $0xffff, v34  }
0x24d: {  	v33 =	vbroadcast v44, $0x0;
	v34 =	vld [tilespmem:s21+$0x0];
	_ =	sdelay $0x1  }
0x24e: {  	v45 =	vadd.s32 v17, v33;
	_ =	sdelay $0x2  }
0x24f: {  	v34 =	vmul.f32 $8.000000000e+00, v34;
	_ =	sdelay $0x1  }
0x250: {  	[tilespmem:v45+s15+$0x0] =	vst.idx.msk $0xffff, v34  }
0x251: {  	v34 =	vld [tilespmem:s21+$0x10];
	_ =	sdelay $0x1  }
0x252: {  	v46 =	vadd.s32 v18, v33;
	_ =	sdelay $0x2  }
0x253: {  	v34 =	vmul.f32 $8.000000000e+00, v34;
	_ =	sdelay $0x1  }
0x254: {  	[tilespmem:v46+s15+$0x0] =	vst.idx.msk $0xffff, v34  }
0x255: {  	v34 =	vld [tilespmem:s21+$0x20];
	_ =	sdelay $0x1  }
0x256: {  	v47 =	vadd.s32 v19, v33;
	_ =	sdelay $0x2  }
0x257: {  	v34 =	vmul.f32 $8.000000000e+00, v34;
	_ =	sdelay $0x1  }
0x258: {  	[tilespmem:v47+s15+$0x0] =	vst.idx.msk $0xffff, v34  }
0x259: {  	v34 =	vld [tilespmem:s21+$0x30];
	_ =	sdelay $0x1  }
0x25a: {  	v33 =	vadd.s32 v20, v33;
	_ =	sdelay $0x1  }
0x25b: {  	s29 =	simm.s32 $0x5  }
0x25c: {  	v48 =	vmov s29;
	v34 =	vmul.f32 $8.000000000e+00, v34  }
0x25d: {  	v35 =	vshrl.u32 v48, $0x3  }
0x25e: {  	v49 =	vshll.u32 v35, v1;
	[tilespmem:v33+s15+$0x0] =	vst.idx.msk $0xffff, v34  }
0x25f: {  	v33 =	vbroadcast v49, $0x0;
	v34 =	vld [tilespmem:s21+$0x40];
	_ =	sdelay $0x1  }
0x260: {  	v50 =	vadd.s32 v21, v33;
	_ =	sdelay $0x2  }
0x261: {  	v34 =	vmul.f32 $8.000000000e+00, v34;
	_ =	sdelay $0x1  }
0x262: {  	[tilespmem:v50+s15+$0x0] =	vst.idx.msk $0xffff, v34  }
0x263: {  	v34 =	vld [tilespmem:s21+$0x50];
	_ =	sdelay $0x1  }
0x264: {  	v51 =	vadd.s32 v22, v33;
	_ =	sdelay $0x2  }
0x265: {  	v34 =	vmul.f32 $8.000000000e+00, v34;
	_ =	sdelay $0x1  }
0x266: {  	[tilespmem:v51+s15+$0x0] =	vst.idx.msk $0xffff, v34  }
0x267: {  	v34 =	vld [tilespmem:s21+$0x60];
	_ =	sdelay $0x1  }
0x268: {  	v52 =	vadd.s32 v23, v33;
	_ =	sdelay $0x2  }
0x269: {  	v34 =	vmul.f32 $8.000000000e+00, v34;
	_ =	sdelay $0x1  }
0x26a: {  	[tilespmem:v52+s15+$0x0] =	vst.idx.msk $0xffff, v34  }
0x26b: {  	v34 =	vld [tilespmem:s21+$0x70];
	_ =	sdelay $0x1  }
0x26c: {  	v33 =	vadd.s32 v24, v33;
	_ =	sdelay $0x1  }
0x26d: {  	s30 =	simm.s32 $0x6  }
0x26e: {  	v53 =	vmov s30;
	v34 =	vmul.f32 $8.000000000e+00, v34  }
0x26f: {  	v35 =	vshrl.u32 v53, $0x3  }
0x270: {  	v54 =	vshll.u32 v35, v1;
	[tilespmem:v33+s15+$0x0] =	vst.idx.msk $0xffff, v34  }
0x271: {  	v33 =	vbroadcast v54, $0x0;
	v34 =	vld [tilespmem:s21+$0x80];
	_ =	sdelay $0x1  }
0x272: {  	v55 =	vadd.s32 v25, v33;
	_ =	sdelay $0x2  }
0x273: {  	v34 =	vmul.f32 $8.000000000e+00, v34;
	_ =	sdelay $0x1  }
0x274: {  	[tilespmem:v55+s15+$0x0] =	vst.idx.msk $0xffff, v34  }
0x275: {  	v34 =	vld [tilespmem:s21+$0x90];
	_ =	sdelay $0x1  }
0x276: {  	v56 =	vadd.s32 v26, v33;
	_ =	sdelay $0x2  }
0x277: {  	v34 =	vmul.f32 $8.000000000e+00, v34;
	_ =	sdelay $0x1  }
0x278: {  	[tilespmem:v56+s15+$0x0] =	vst.idx.msk $0xffff, v34  }
0x279: {  	v34 =	vld [tilespmem:s21+$0xA0];
	_ =	sdelay $0x1  }
0x27a: {  	v57 =	vadd.s32 v27, v33;
	_ =	sdelay $0x2  }
0x27b: {  	v34 =	vmul.f32 $8.000000000e+00, v34;
	_ =	sdelay $0x1  }
0x27c: {  	[tilespmem:v57+s15+$0x0] =	vst.idx.msk $0xffff, v34  }
0x27d: {  	v34 =	vld [tilespmem:s21+$0xB0];
	_ =	sdelay $0x1  }
0x27e: {  	v33 =	vadd.s32 v28, v33;
	_ =	sdelay $0x1  }
0x27f: {  	s31 =	simm.s32 $0x7  }
0x280: {  	v58 =	vmov s31;
	v34 =	vmul.f32 $8.000000000e+00, v34  }
0x281: {  	v35 =	vshrl.u32 v58, $0x3  }
0x282: {  	v59 =	vshll.u32 v35, v1;
	[tilespmem:v33+s15+$0x0] =	vst.idx.msk $0xffff, v34  }
0x283: {  	v33 =	vbroadcast v59, $0x0;
	v34 =	vld [tilespmem:s21+$0xC0];
	_ =	sdelay $0x1  }
0x284: {  	v60 =	vadd.s32 v29, v33;
	_ =	sdelay $0x2  }
0x285: {  	v34 =	vmul.f32 $8.000000000e+00, v34;
	_ =	sdelay $0x1  }
0x286: {  	[tilespmem:v60+s15+$0x0] =	vst.idx.msk $0xffff, v34  }
0x287: {  	v34 =	vld [tilespmem:s21+$0xD0];
	_ =	sdelay $0x1  }
0x288: {  	v61 =	vadd.s32 v30, v33;
	_ =	sdelay $0x2  }
0x289: {  	v34 =	vmul.f32 $8.000000000e+00, v34;
	_ =	sdelay $0x1  }
0x28a: {  	[tilespmem:v61+s15+$0x0] =	vst.idx.msk $0xffff, v34  }
0x28b: {  	v34 =	vld [tilespmem:s21+$0xE0];
	_ =	sdelay $0x1  }
0x28c: {  	v62 =	vadd.s32 v31, v33;
	_ =	sdelay $0x2  }
0x28d: {  	v34 =	vmul.f32 $8.000000000e+00, v34;
	_ =	sdelay $0x1  }
0x28e: {  	[tilespmem:v62+s15+$0x0] =	vst.idx.msk $0xffff, v34  }
0x28f: {  	v34 =	vld [tilespmem:s21+$0xF0];
	_ =	sdelay $0x1  }
0x290: {  	v33 =	vadd.s32 v32, v33  }
0x291: {  	s22 =	simm.s32 $0x8  }
0x292: {  	v63 =	vmov s22  }
0x293: {  	s20 =	sadd.s32 s6, s20;
	s23 =	simm.s32 $0x10;
	v35 =	vshrl.u32 v63, $0x3;
	v34 =	vmul.f32 $8.000000000e+00, v34  }
.LBB2_7:
0x294: {  	p0 =	slt.u32 s23, $0x78  }
0x295: {  	v35 =	vshll.u32 v35, v1;
	[tilespmem:v33+s15+$0x0] =	vst.idx.msk $0xffff, v34;
	s21 =	sadd.s32 $0x200, s21;
	s24 =	smov.u32 s23;
	s23 =	sadd.s32 $0x8, s23  }
0x296: {  	v33 =	vld [tilespmem:s21+$0xFFFFFF00];
	v34 =	vbroadcast v35, $0x0;
	_ =	sdelay $0x1  }
0x297: {  	v35 =	vadd.s32 v0, v34;
	_ =	sdelay $0x2  }
0x298: {  	v33 =	vmul.f32 $8.000000000e+00, v33;
	_ =	sdelay $0x1  }
0x299: {  	[tilespmem:v35+s15+$0x0] =	vst.idx.msk $0xffff, v33  }
0x29a: {  	v33 =	vld [tilespmem:s21+$0xFFFFFF10];
	_ =	sdelay $0x1  }
0x29b: {  	v35 =	vadd.s32 v2, v34;
	_ =	sdelay $0x2  }
0x29c: {  	v33 =	vmul.f32 $8.000000000e+00, v33;
	_ =	sdelay $0x1  }
0x29d: {  	[tilespmem:v35+s15+$0x0] =	vst.idx.msk $0xffff, v33  }
0x29e: {  	v33 =	vld [tilespmem:s21+$0xFFFFFF20];
	_ =	sdelay $0x1  }
0x29f: {  	v35 =	vadd.s32 v3, v34;
	_ =	sdelay $0x2  }
0x2a0: {  	v33 =	vmul.f32 $8.000000000e+00, v33;
	_ =	sdelay $0x1  }
0x2a1: {  	[tilespmem:v35+s15+$0x0] =	vst.idx.msk $0xffff, v33  }
0x2a2: {  	v33 =	vld [tilespmem:s21+$0xFFFFFF30];
	_ =	sdelay $0x1  }
0x2a3: {  	v34 =	vadd.s32 v4, v34;
	_ =	sdelay $0x1  }
0x2a4: {  	s25 =	sadd.s32 $0x1, s22  }
0x2a5: {  	v35 =	vmov s25;
	v33 =	vmul.f32 $8.000000000e+00, v33  }
0x2a6: {  	v35 =	vshrl.u32 v35, $0x3  }
0x2a7: {  	[tilespmem:v34+s15+$0x0] =	vst.idx.msk $0xffff, v33;
	v33 =	vshll.u32 v35, v1  }
0x2a8: {  	v34 =	vld [tilespmem:s21+$0xFFFFFF40];
	v33 =	vbroadcast v33, $0x0;
	_ =	sdelay $0x1  }
0x2a9: {  	v35 =	vadd.s32 v5, v33;
	_ =	sdelay $0x2  }
0x2aa: {  	v34 =	vmul.f32 $8.000000000e+00, v34;
	_ =	sdelay $0x1  }
0x2ab: {  	[tilespmem:v35+s15+$0x0] =	vst.idx.msk $0xffff, v34  }
0x2ac: {  	v34 =	vld [tilespmem:s21+$0xFFFFFF50];
	_ =	sdelay $0x1  }
0x2ad: {  	v35 =	vadd.s32 v6, v33;
	_ =	sdelay $0x2  }
0x2ae: {  	v34 =	vmul.f32 $8.000000000e+00, v34;
	_ =	sdelay $0x1  }
0x2af: {  	[tilespmem:v35+s15+$0x0] =	vst.idx.msk $0xffff, v34  }
0x2b0: {  	v34 =	vld [tilespmem:s21+$0xFFFFFF60];
	_ =	sdelay $0x1  }
0x2b1: {  	v35 =	vadd.s32 v7, v33;
	_ =	sdelay $0x2  }
0x2b2: {  	v34 =	vmul.f32 $8.000000000e+00, v34;
	_ =	sdelay $0x1  }
0x2b3: {  	[tilespmem:v35+s15+$0x0] =	vst.idx.msk $0xffff, v34  }
0x2b4: {  	v34 =	vld [tilespmem:s21+$0xFFFFFF70];
	_ =	sdelay $0x1  }
0x2b5: {  	v33 =	vadd.s32 v8, v33;
	_ =	sdelay $0x1  }
0x2b6: {  	s25 =	sadd.s32 $0x2, s22  }
0x2b7: {  	v35 =	vmov s25;
	v34 =	vmul.f32 $8.000000000e+00, v34  }
0x2b8: {  	v35 =	vshrl.u32 v35, $0x3  }
0x2b9: {  	[tilespmem:v33+s15+$0x0] =	vst.idx.msk $0xffff, v34;
	v33 =	vshll.u32 v35, v1  }
0x2ba: {  	v34 =	vld [tilespmem:s21+$0xFFFFFF80];
	v33 =	vbroadcast v33, $0x0;
	_ =	sdelay $0x1  }
0x2bb: {  	v35 =	vadd.s32 v9, v33;
	_ =	sdelay $0x2  }
0x2bc: {  	v34 =	vmul.f32 $8.000000000e+00, v34;
	_ =	sdelay $0x1  }
0x2bd: {  	[tilespmem:v35+s15+$0x0] =	vst.idx.msk $0xffff, v34  }
0x2be: {  	v34 =	vld [tilespmem:s21+$0xFFFFFF90];
	_ =	sdelay $0x1  }
0x2bf: {  	v35 =	vadd.s32 v10, v33;
	_ =	sdelay $0x2  }
0x2c0: {  	v34 =	vmul.f32 $8.000000000e+00, v34;
	_ =	sdelay $0x1  }
0x2c1: {  	[tilespmem:v35+s15+$0x0] =	vst.idx.msk $0xffff, v34  }
0x2c2: {  	v34 =	vld [tilespmem:s21+$0xFFFFFFA0];
	_ =	sdelay $0x1  }
0x2c3: {  	v35 =	vadd.s32 v11, v33;
	_ =	sdelay $0x2  }
0x2c4: {  	v34 =	vmul.f32 $8.000000000e+00, v34;
	_ =	sdelay $0x1  }
0x2c5: {  	[tilespmem:v35+s15+$0x0] =	vst.idx.msk $0xffff, v34  }
0x2c6: {  	v34 =	vld [tilespmem:s21+$0xFFFFFFB0];
	_ =	sdelay $0x1  }
0x2c7: {  	v33 =	vadd.s32 v12, v33;
	_ =	sdelay $0x1  }
0x2c8: {  	s25 =	sadd.s32 $0x3, s22  }
0x2c9: {  	v35 =	vmov s25;
	v34 =	vmul.f32 $8.000000000e+00, v34  }
0x2ca: {  	v35 =	vshrl.u32 v35, $0x3  }
0x2cb: {  	[tilespmem:v33+s15+$0x0] =	vst.idx.msk $0xffff, v34;
	v33 =	vshll.u32 v35, v1  }
0x2cc: {  	v34 =	vld [tilespmem:s21+$0xFFFFFFC0];
	v33 =	vbroadcast v33, $0x0;
	_ =	sdelay $0x1  }
0x2cd: {  	v35 =	vadd.s32 v13, v33;
	_ =	sdelay $0x2  }
0x2ce: {  	v34 =	vmul.f32 $8.000000000e+00, v34;
	_ =	sdelay $0x1  }
0x2cf: {  	[tilespmem:v35+s15+$0x0] =	vst.idx.msk $0xffff, v34  }
0x2d0: {  	v34 =	vld [tilespmem:s21+$0xFFFFFFD0];
	_ =	sdelay $0x1  }
0x2d1: {  	v35 =	vadd.s32 v14, v33;
	_ =	sdelay $0x2  }
0x2d2: {  	v34 =	vmul.f32 $8.000000000e+00, v34;
	_ =	sdelay $0x1  }
0x2d3: {  	[tilespmem:v35+s15+$0x0] =	vst.idx.msk $0xffff, v34  }
0x2d4: {  	v34 =	vld [tilespmem:s21+$0xFFFFFFE0];
	_ =	sdelay $0x1  }
0x2d5: {  	v35 =	vadd.s32 v15, v33;
	_ =	sdelay $0x2  }
0x2d6: {  	v34 =	vmul.f32 $8.000000000e+00, v34;
	_ =	sdelay $0x1  }
0x2d7: {  	[tilespmem:v35+s15+$0x0] =	vst.idx.msk $0xffff, v34  }
0x2d8: {  	v34 =	vld [tilespmem:s21+$0xFFFFFFF0];
	_ =	sdelay $0x1  }
0x2d9: {  	v33 =	vadd.s32 v16, v33;
	_ =	sdelay $0x1  }
0x2da: {  	s25 =	sadd.s32 $0x4, s22  }
0x2db: {  	v35 =	vmov s25;
	v34 =	vmul.f32 $8.000000000e+00, v34  }
0x2dc: {  	v35 =	vshrl.u32 v35, $0x3  }
0x2dd: {  	[tilespmem:v33+s15+$0x0] =	vst.idx.msk $0xffff, v34;
	v33 =	vshll.u32 v35, v1  }
0x2de: {  	v34 =	vld [tilespmem:s21+$0x0];
	v33 =	vbroadcast v33, $0x0;
	_ =	sdelay $0x1  }
0x2df: {  	v35 =	vadd.s32 v17, v33;
	_ =	sdelay $0x2  }
0x2e0: {  	v34 =	vmul.f32 $8.000000000e+00, v34;
	_ =	sdelay $0x1  }
0x2e1: {  	[tilespmem:v35+s15+$0x0] =	vst.idx.msk $0xffff, v34  }
0x2e2: {  	v34 =	vld [tilespmem:s21+$0x10];
	_ =	sdelay $0x1  }
0x2e3: {  	v35 =	vadd.s32 v18, v33;
	_ =	sdelay $0x2  }
0x2e4: {  	v34 =	vmul.f32 $8.000000000e+00, v34;
	_ =	sdelay $0x1  }
0x2e5: {  	[tilespmem:v35+s15+$0x0] =	vst.idx.msk $0xffff, v34  }
0x2e6: {  	v34 =	vld [tilespmem:s21+$0x20];
	_ =	sdelay $0x1  }
0x2e7: {  	v35 =	vadd.s32 v19, v33;
	_ =	sdelay $0x2  }
0x2e8: {  	v34 =	vmul.f32 $8.000000000e+00, v34;
	_ =	sdelay $0x1  }
0x2e9: {  	[tilespmem:v35+s15+$0x0] =	vst.idx.msk $0xffff, v34  }
0x2ea: {  	v34 =	vld [tilespmem:s21+$0x30];
	_ =	sdelay $0x1  }
0x2eb: {  	v33 =	vadd.s32 v20, v33;
	_ =	sdelay $0x1  }
0x2ec: {  	s25 =	sadd.s32 $0x5, s22  }
0x2ed: {  	v35 =	vmov s25;
	v34 =	vmul.f32 $8.000000000e+00, v34  }
0x2ee: {  	v35 =	vshrl.u32 v35, $0x3  }
0x2ef: {  	[tilespmem:v33+s15+$0x0] =	vst.idx.msk $0xffff, v34;
	v33 =	vshll.u32 v35, v1  }
0x2f0: {  	v34 =	vld [tilespmem:s21+$0x40];
	v33 =	vbroadcast v33, $0x0;
	_ =	sdelay $0x1  }
0x2f1: {  	v35 =	vadd.s32 v21, v33;
	_ =	sdelay $0x2  }
0x2f2: {  	v34 =	vmul.f32 $8.000000000e+00, v34;
	_ =	sdelay $0x1  }
0x2f3: {  	[tilespmem:v35+s15+$0x0] =	vst.idx.msk $0xffff, v34  }
0x2f4: {  	v34 =	vld [tilespmem:s21+$0x50];
	_ =	sdelay $0x1  }
0x2f5: {  	v35 =	vadd.s32 v22, v33;
	_ =	sdelay $0x2  }
0x2f6: {  	v34 =	vmul.f32 $8.000000000e+00, v34;
	_ =	sdelay $0x1  }
0x2f7: {  	[tilespmem:v35+s15+$0x0] =	vst.idx.msk $0xffff, v34  }
0x2f8: {  	v34 =	vld [tilespmem:s21+$0x60];
	_ =	sdelay $0x1  }
0x2f9: {  	v35 =	vadd.s32 v23, v33;
	_ =	sdelay $0x2  }
0x2fa: {  	v34 =	vmul.f32 $8.000000000e+00, v34;
	_ =	sdelay $0x1  }
0x2fb: {  	[tilespmem:v35+s15+$0x0] =	vst.idx.msk $0xffff, v34  }
0x2fc: {  	v34 =	vld [tilespmem:s21+$0x70];
	_ =	sdelay $0x1  }
0x2fd: {  	v33 =	vadd.s32 v24, v33;
	_ =	sdelay $0x1  }
0x2fe: {  	s25 =	sadd.s32 $0x6, s22  }
0x2ff: {  	v35 =	vmov s25;
	v34 =	vmul.f32 $8.000000000e+00, v34  }
0x300: {  	v35 =	vshrl.u32 v35, $0x3  }
0x301: {  	[tilespmem:v33+s15+$0x0] =	vst.idx.msk $0xffff, v34;
	v33 =	vshll.u32 v35, v1  }
0x302: {  	v34 =	vld [tilespmem:s21+$0x80];
	v33 =	vbroadcast v33, $0x0;
	_ =	sdelay $0x1  }
0x303: {  	v35 =	vadd.s32 v25, v33;
	_ =	sdelay $0x2  }
0x304: {  	v34 =	vmul.f32 $8.000000000e+00, v34;
	_ =	sdelay $0x1  }
0x305: {  	[tilespmem:v35+s15+$0x0] =	vst.idx.msk $0xffff, v34  }
0x306: {  	v34 =	vld [tilespmem:s21+$0x90];
	_ =	sdelay $0x1  }
0x307: {  	v35 =	vadd.s32 v26, v33;
	_ =	sdelay $0x2  }
0x308: {  	v34 =	vmul.f32 $8.000000000e+00, v34;
	_ =	sdelay $0x1  }
0x309: {  	[tilespmem:v35+s15+$0x0] =	vst.idx.msk $0xffff, v34  }
0x30a: {  	v34 =	vld [tilespmem:s21+$0xA0];
	_ =	sdelay $0x1  }
0x30b: {  	v35 =	vadd.s32 v27, v33;
	_ =	sdelay $0x2  }
0x30c: {  	v34 =	vmul.f32 $8.000000000e+00, v34;
	_ =	sdelay $0x1  }
0x30d: {  	[tilespmem:v35+s15+$0x0] =	vst.idx.msk $0xffff, v34  }
0x30e: {  	v34 =	vld [tilespmem:s21+$0xB0];
	_ =	sdelay $0x1  }
0x30f: {  	v33 =	vadd.s32 v28, v33;
	_ =	sdelay $0x1  }
0x310: {  	s25 =	sadd.s32 $0x7, s22;
	s22 =	smov.u32 s24  }
0x311: {  	v35 =	vmov s25;
	v34 =	vmul.f32 $8.000000000e+00, v34  }
0x312: {  	v35 =	vshrl.u32 v35, $0x3  }
0x313: {  	[tilespmem:v33+s15+$0x0] =	vst.idx.msk $0xffff, v34;
	v33 =	vshll.u32 v35, v1  }
0x314: {  	v34 =	vld [tilespmem:s21+$0xC0];
	v33 =	vbroadcast v33, $0x0;
	_ =	sdelay $0x1  }
0x315: {  	v35 =	vadd.s32 v29, v33;
	_ =	sdelay $0x2  }
0x316: {  	v34 =	vmul.f32 $8.000000000e+00, v34;
	_ =	sdelay $0x1  }
0x317: {  	[tilespmem:v35+s15+$0x0] =	vst.idx.msk $0xffff, v34  }
0x318: {  	v34 =	vld [tilespmem:s21+$0xD0];
	_ =	sdelay $0x1  }
0x319: {  	v35 =	vadd.s32 v30, v33;
	_ =	sdelay $0x2  }
0x31a: {  	v34 =	vmul.f32 $8.000000000e+00, v34;
	_ =	sdelay $0x1  }
0x31b: {  	[tilespmem:v35+s15+$0x0] =	vst.idx.msk $0xffff, v34  }
0x31c: {  	v34 =	vld [tilespmem:s21+$0xE0];
	_ =	sdelay $0x1  }
0x31d: {  	v35 =	vadd.s32 v31, v33;
	_ =	sdelay $0x2  }
0x31e: {  	v34 =	vmul.f32 $8.000000000e+00, v34;
	_ =	sdelay $0x1  }
0x31f: {  	[tilespmem:v35+s15+$0x0] =	vst.idx.msk $0xffff, v34  }
0x320: {  	v34 =	vld [tilespmem:s21+$0xF0];
	_ =	sdelay $0x1  }
.Ltmp2:
0x321: {  	v33 =	vadd.s32 v32, v33;
	(pc) =	sbr.rel @p0 .LBB2_7-.Ltmp2, $3  }
0x322: {  	_ =	sdelay $0x1  }
0x323: {  	v35 =	vmov s22;
	v34 =	vmul.f32 $8.000000000e+00, v34  }
0x324: {  	v35 =	vshrl.u32 v35, $0x3  }
0x325: {  	_ =	sdelay $0x3  }
0x326: {  	v35 =	vshll.u32 v35, v1;
	[tilespmem:v33+s15+$0x0] =	vst.idx.msk $0xffff, v34;
	s21 =	sadd.s32 $0x200, s21  }
0x327: {  	v33 =	vld [tilespmem:s21+$0xFFFFFF00];
	v54 =	vbroadcast v35, $0x0;
	_ =	sdelay $0x1  }
0x328: {  	v35 =	vadd.s32 v0, v54;
	_ =	sdelay $0x2  }
0x329: {  	v33 =	vmul.f32 $8.000000000e+00, v33;
	_ =	sdelay $0x1  }
0x32a: {  	[tilespmem:v35+s15+$0x0] =	vst.idx.msk $0xffff, v33  }
0x32b: {  	v33 =	vld [tilespmem:s21+$0xFFFFFF10];
	_ =	sdelay $0x1  }
0x32c: {  	v55 =	vadd.s32 v2, v54;
	_ =	sdelay $0x2  }
0x32d: {  	v33 =	vmul.f32 $8.000000000e+00, v33;
	_ =	sdelay $0x1  }
0x32e: {  	[tilespmem:v55+s15+$0x0] =	vst.idx.msk $0xffff, v33  }
0x32f: {  	v33 =	vld [tilespmem:s21+$0xFFFFFF20];
	_ =	sdelay $0x1  }
0x330: {  	v56 =	vadd.s32 v3, v54;
	_ =	sdelay $0x2  }
0x331: {  	v33 =	vmul.f32 $8.000000000e+00, v33;
	_ =	sdelay $0x1  }
0x332: {  	[tilespmem:v56+s15+$0x0] =	vst.idx.msk $0xffff, v33  }
0x333: {  	v33 =	vld [tilespmem:s21+$0xFFFFFF30];
	_ =	sdelay $0x1  }
0x334: {  	v34 =	vadd.s32 v4, v54;
	_ =	sdelay $0x1  }
0x335: {  	s23 =	sadd.s32 $0x1, s22  }
0x336: {  	v57 =	vmov s23;
	v33 =	vmul.f32 $8.000000000e+00, v33  }
0x337: {  	v35 =	vshrl.u32 v57, $0x3  }
0x338: {  	v58 =	vshll.u32 v35, v1;
	[tilespmem:v34+s15+$0x0] =	vst.idx.msk $0xffff, v33  }
0x339: {  	v33 =	vbroadcast v58, $0x0;
	v34 =	vld [tilespmem:s21+$0xFFFFFF40];
	_ =	sdelay $0x1  }
0x33a: {  	v59 =	vadd.s32 v5, v33;
	_ =	sdelay $0x2  }
0x33b: {  	v34 =	vmul.f32 $8.000000000e+00, v34;
	_ =	sdelay $0x1  }
0x33c: {  	[tilespmem:v59+s15+$0x0] =	vst.idx.msk $0xffff, v34  }
0x33d: {  	v34 =	vld [tilespmem:s21+$0xFFFFFF50];
	_ =	sdelay $0x1  }
0x33e: {  	v60 =	vadd.s32 v6, v33;
	_ =	sdelay $0x2  }
0x33f: {  	v34 =	vmul.f32 $8.000000000e+00, v34;
	_ =	sdelay $0x1  }
0x340: {  	[tilespmem:v60+s15+$0x0] =	vst.idx.msk $0xffff, v34  }
0x341: {  	v34 =	vld [tilespmem:s21+$0xFFFFFF60];
	_ =	sdelay $0x1  }
0x342: {  	v61 =	vadd.s32 v7, v33;
	_ =	sdelay $0x2  }
0x343: {  	v34 =	vmul.f32 $8.000000000e+00, v34;
	_ =	sdelay $0x1  }
0x344: {  	[tilespmem:v61+s15+$0x0] =	vst.idx.msk $0xffff, v34  }
0x345: {  	v34 =	vld [tilespmem:s21+$0xFFFFFF70];
	_ =	sdelay $0x1  }
0x346: {  	v33 =	vadd.s32 v8, v33;
	_ =	sdelay $0x1  }
0x347: {  	s25 =	sadd.s32 $0x2, s22  }
0x348: {  	v62 =	vmov s25;
	v34 =	vmul.f32 $8.000000000e+00, v34  }
0x349: {  	v35 =	vshrl.u32 v62, $0x3  }
0x34a: {  	v63 =	vshll.u32 v35, v1;
	[tilespmem:v33+s15+$0x0] =	vst.idx.msk $0xffff, v34  }
0x34b: {  	v33 =	vbroadcast v63, $0x0;
	v34 =	vld [tilespmem:s21+$0xFFFFFF80];
	_ =	sdelay $0x1  }
0x34c: {  	v36 =	vadd.s32 v9, v33;
	_ =	sdelay $0x2  }
0x34d: {  	v34 =	vmul.f32 $8.000000000e+00, v34;
	_ =	sdelay $0x1  }
0x34e: {  	[tilespmem:v36+s15+$0x0] =	vst.idx.msk $0xffff, v34  }
0x34f: {  	v34 =	vld [tilespmem:s21+$0xFFFFFF90];
	_ =	sdelay $0x1  }
0x350: {  	v37 =	vadd.s32 v10, v33;
	_ =	sdelay $0x2  }
0x351: {  	v34 =	vmul.f32 $8.000000000e+00, v34;
	_ =	sdelay $0x1  }
0x352: {  	[tilespmem:v37+s15+$0x0] =	vst.idx.msk $0xffff, v34  }
0x353: {  	v34 =	vld [tilespmem:s21+$0xFFFFFFA0];
	_ =	sdelay $0x1  }
0x354: {  	v38 =	vadd.s32 v11, v33;
	_ =	sdelay $0x2  }
0x355: {  	v34 =	vmul.f32 $8.000000000e+00, v34;
	_ =	sdelay $0x1  }
0x356: {  	[tilespmem:v38+s15+$0x0] =	vst.idx.msk $0xffff, v34  }
0x357: {  	v34 =	vld [tilespmem:s21+$0xFFFFFFB0];
	_ =	sdelay $0x1  }
0x358: {  	v33 =	vadd.s32 v12, v33;
	_ =	sdelay $0x1  }
0x359: {  	s26 =	sadd.s32 $0x3, s22  }
0x35a: {  	v39 =	vmov s26;
	v34 =	vmul.f32 $8.000000000e+00, v34  }
0x35b: {  	v35 =	vshrl.u32 v39, $0x3  }
0x35c: {  	v40 =	vshll.u32 v35, v1;
	[tilespmem:v33+s15+$0x0] =	vst.idx.msk $0xffff, v34  }
0x35d: {  	v33 =	vbroadcast v40, $0x0;
	v34 =	vld [tilespmem:s21+$0xFFFFFFC0];
	_ =	sdelay $0x1  }
0x35e: {  	v41 =	vadd.s32 v13, v33;
	_ =	sdelay $0x2  }
0x35f: {  	v34 =	vmul.f32 $8.000000000e+00, v34;
	_ =	sdelay $0x1  }
0x360: {  	[tilespmem:v41+s15+$0x0] =	vst.idx.msk $0xffff, v34  }
0x361: {  	v34 =	vld [tilespmem:s21+$0xFFFFFFD0];
	_ =	sdelay $0x1  }
0x362: {  	v42 =	vadd.s32 v14, v33;
	_ =	sdelay $0x2  }
0x363: {  	v34 =	vmul.f32 $8.000000000e+00, v34;
	_ =	sdelay $0x1  }
0x364: {  	[tilespmem:v42+s15+$0x0] =	vst.idx.msk $0xffff, v34  }
0x365: {  	v34 =	vld [tilespmem:s21+$0xFFFFFFE0];
	_ =	sdelay $0x1  }
0x366: {  	v43 =	vadd.s32 v15, v33;
	_ =	sdelay $0x2  }
0x367: {  	v34 =	vmul.f32 $8.000000000e+00, v34;
	_ =	sdelay $0x1  }
0x368: {  	[tilespmem:v43+s15+$0x0] =	vst.idx.msk $0xffff, v34  }
0x369: {  	v34 =	vld [tilespmem:s21+$0xFFFFFFF0];
	_ =	sdelay $0x1  }
0x36a: {  	v33 =	vadd.s32 v16, v33;
	_ =	sdelay $0x1  }
0x36b: {  	s28 =	sadd.s32 $0x4, s22  }
0x36c: {  	v44 =	vmov s28;
	v34 =	vmul.f32 $8.000000000e+00, v34  }
0x36d: {  	v35 =	vshrl.u32 v44, $0x3  }
0x36e: {  	v45 =	vshll.u32 v35, v1;
	[tilespmem:v33+s15+$0x0] =	vst.idx.msk $0xffff, v34  }
0x36f: {  	v33 =	vbroadcast v45, $0x0;
	v34 =	vld [tilespmem:s21+$0x0];
	_ =	sdelay $0x1  }
0x370: {  	v46 =	vadd.s32 v17, v33;
	_ =	sdelay $0x2  }
0x371: {  	v34 =	vmul.f32 $8.000000000e+00, v34;
	_ =	sdelay $0x1  }
0x372: {  	[tilespmem:v46+s15+$0x0] =	vst.idx.msk $0xffff, v34  }
0x373: {  	v34 =	vld [tilespmem:s21+$0x10];
	_ =	sdelay $0x1  }
0x374: {  	v47 =	vadd.s32 v18, v33;
	_ =	sdelay $0x2  }
0x375: {  	v34 =	vmul.f32 $8.000000000e+00, v34;
	_ =	sdelay $0x1  }
0x376: {  	[tilespmem:v47+s15+$0x0] =	vst.idx.msk $0xffff, v34  }
0x377: {  	v34 =	vld [tilespmem:s21+$0x20];
	_ =	sdelay $0x1  }
0x378: {  	v48 =	vadd.s32 v19, v33;
	_ =	sdelay $0x2  }
0x379: {  	v34 =	vmul.f32 $8.000000000e+00, v34;
	_ =	sdelay $0x1  }
0x37a: {  	[tilespmem:v48+s15+$0x0] =	vst.idx.msk $0xffff, v34  }
0x37b: {  	v34 =	vld [tilespmem:s21+$0x30];
	_ =	sdelay $0x1  }
0x37c: {  	v33 =	vadd.s32 v20, v33;
	_ =	sdelay $0x1  }
0x37d: {  	s29 =	sadd.s32 $0x5, s22  }
0x37e: {  	v49 =	vmov s29;
	v34 =	vmul.f32 $8.000000000e+00, v34  }
0x37f: {  	v35 =	vshrl.u32 v49, $0x3  }
0x380: {  	v50 =	vshll.u32 v35, v1;
	[tilespmem:v33+s15+$0x0] =	vst.idx.msk $0xffff, v34  }
0x381: {  	v33 =	vbroadcast v50, $0x0;
	v34 =	vld [tilespmem:s21+$0x40];
	_ =	sdelay $0x1  }
0x382: {  	v51 =	vadd.s32 v21, v33;
	_ =	sdelay $0x2  }
0x383: {  	v34 =	vmul.f32 $8.000000000e+00, v34;
	_ =	sdelay $0x1  }
0x384: {  	[tilespmem:v51+s15+$0x0] =	vst.idx.msk $0xffff, v34  }
0x385: {  	v34 =	vld [tilespmem:s21+$0x50];
	_ =	sdelay $0x1  }
0x386: {  	v52 =	vadd.s32 v22, v33;
	_ =	sdelay $0x2  }
0x387: {  	v34 =	vmul.f32 $8.000000000e+00, v34;
	_ =	sdelay $0x1  }
0x388: {  	[tilespmem:v52+s15+$0x0] =	vst.idx.msk $0xffff, v34  }
0x389: {  	v34 =	vld [tilespmem:s21+$0x60];
	_ =	sdelay $0x1  }
0x38a: {  	v53 =	vadd.s32 v23, v33;
	_ =	sdelay $0x2  }
0x38b: {  	v34 =	vmul.f32 $8.000000000e+00, v34;
	_ =	sdelay $0x1  }
0x38c: {  	[tilespmem:v53+s15+$0x0] =	vst.idx.msk $0xffff, v34  }
0x38d: {  	v34 =	vld [tilespmem:s21+$0x70];
	_ =	sdelay $0x1  }
0x38e: {  	v33 =	vadd.s32 v24, v33;
	_ =	sdelay $0x1  }
0x38f: {  	s30 =	sadd.s32 $0x6, s22  }
0x390: {  	v54 =	vmov s30;
	v34 =	vmul.f32 $8.000000000e+00, v34  }
0x391: {  	v35 =	vshrl.u32 v54, $0x3  }
0x392: {  	v55 =	vshll.u32 v35, v1;
	[tilespmem:v33+s15+$0x0] =	vst.idx.msk $0xffff, v34  }
0x393: {  	v33 =	vbroadcast v55, $0x0;
	v34 =	vld [tilespmem:s21+$0x80];
	_ =	sdelay $0x1  }
0x394: {  	v56 =	vadd.s32 v25, v33;
	_ =	sdelay $0x2  }
0x395: {  	v34 =	vmul.f32 $8.000000000e+00, v34;
	_ =	sdelay $0x1  }
0x396: {  	[tilespmem:v56+s15+$0x0] =	vst.idx.msk $0xffff, v34  }
0x397: {  	v34 =	vld [tilespmem:s21+$0x90];
	_ =	sdelay $0x1  }
0x398: {  	v57 =	vadd.s32 v26, v33;
	_ =	sdelay $0x2  }
0x399: {  	v34 =	vmul.f32 $8.000000000e+00, v34;
	_ =	sdelay $0x1  }
0x39a: {  	[tilespmem:v57+s15+$0x0] =	vst.idx.msk $0xffff, v34  }
0x39b: {  	v34 =	vld [tilespmem:s21+$0xA0];
	_ =	sdelay $0x1  }
0x39c: {  	v58 =	vadd.s32 v27, v33;
	_ =	sdelay $0x2  }
0x39d: {  	v34 =	vmul.f32 $8.000000000e+00, v34;
	_ =	sdelay $0x1  }
0x39e: {  	[tilespmem:v58+s15+$0x0] =	vst.idx.msk $0xffff, v34  }
0x39f: {  	v34 =	vld [tilespmem:s21+$0xB0];
	_ =	sdelay $0x1  }
0x3a0: {  	v33 =	vadd.s32 v28, v33;
	_ =	sdelay $0x1  }
0x3a1: {  	s31 =	sadd.s32 $0x7, s22  }
0x3a2: {  	v59 =	vmov s31;
	v34 =	vmul.f32 $8.000000000e+00, v34  }
0x3a3: {  	v35 =	vshrl.u32 v59, $0x3  }
0x3a4: {  	v60 =	vshll.u32 v35, v1;
	[tilespmem:v33+s15+$0x0] =	vst.idx.msk $0xffff, v34  }
0x3a5: {  	v33 =	vbroadcast v60, $0x0;
	v34 =	vld [tilespmem:s21+$0xC0];
	_ =	sdelay $0x1  }
0x3a6: {  	v61 =	vadd.s32 v29, v33;
	_ =	sdelay $0x2  }
0x3a7: {  	v34 =	vmul.f32 $8.000000000e+00, v34;
	_ =	sdelay $0x1  }
0x3a8: {  	[tilespmem:v61+s15+$0x0] =	vst.idx.msk $0xffff, v34  }
0x3a9: {  	v34 =	vld [tilespmem:s21+$0xD0];
	_ =	sdelay $0x1  }
0x3aa: {  	v62 =	vadd.s32 v30, v33;
	_ =	sdelay $0x2  }
0x3ab: {  	v34 =	vmul.f32 $8.000000000e+00, v34;
	_ =	sdelay $0x1  }
0x3ac: {  	[tilespmem:v62+s15+$0x0] =	vst.idx.msk $0xffff, v34  }
0x3ad: {  	v34 =	vld [tilespmem:s21+$0xE0];
	_ =	sdelay $0x1  }
0x3ae: {  	v63 =	vadd.s32 v31, v33;
	_ =	sdelay $0x2  }
0x3af: {  	v34 =	vmul.f32 $8.000000000e+00, v34;
	_ =	sdelay $0x1  }
0x3b0: {  	[tilespmem:v63+s15+$0x0] =	vst.idx.msk $0xffff, v34  }
0x3b1: {  	v34 =	vld [tilespmem:s21+$0xF0];
	_ =	sdelay $0x1  }
0x3b2: {  	v33 =	vadd.s32 v32, v33;
	_ =	sdelay $0x1  }
0x3b3: {  	s24 =	sshll.u32 s20, $0xD;
	s23 =	sshll.u32 s20, $0xA;
	s25 =	sshll.u32 s20, $0x4  }
0x3b4: {  	s22 =	sand.u32 $0xE000, s24;
	s20 =	sand.u32 $0x380, s25;
	s21 =	sand.u32 $0xFFF0000, s23;
	v34 =	vmul.f32 $8.000000000e+00, v34  }
0x3b5: {  	s20 =	sadd.s32 s2, s20;
	s21 =	sor.u32 s22, s21  }
0x3b6: {  	s26 =	simm.s32 $0x7B00;
	s21 =	sadd.s32 s21, s20;
	[tilespmem:v33+s15+$0x0] =	vst.idx.msk $0xffff, v34  }
0x3b7: {  	[hbm4b:s21+s3] =	stream.linear.scatter [tilespmem:s26], [sflag:$0x4], $0x80, $0x38;
	[tilespmem:$0x9D00] =	vst v63  }
0x3b8: {  	s28 =	simm.s32 $0x7B88;
	s29 =	sadd.s32 $0x10, s21  }
0x3b9: {  	[hbm4b:s29+s3] =	stream.linear.scatter [tilespmem:s28], [sflag:$0x4], $0x80, $0x38;
	[tilespmem:$0x9D00] =	vst v63  }
0x3ba: {  	s25 =	simm.s32 $0x7D20;
	s30 =	simm.s32 $0x7C10;
	s31 =	sadd.s32 $0x20, s21  }
0x3bb: {  	[hbm4b:s31+s3] =	stream.linear.scatter [tilespmem:s30], [sflag:$0x4], $0x80, $0x38;
	[tilespmem:$0x9D00] =	vst v63  }
0x3bc: {  	s23 =	simm.s32 $0x7C98;
	s22 =	simm.s32 $0x2200;
	s24 =	sadd.s32 $0x30, s21  }
0x3bd: {  	[hbm4b:s24+s3] =	stream.linear.scatter [tilespmem:s23], [sflag:$0x4], $0x80, $0x38;
	[tilespmem:$0x9D00] =	vst v63  }
0x3be: {  	s20 =	simm.s32 $0x440;
	s26 =	sadd.s32 $0x40, s21;
	s28 =	simm.s32 $0x7DA8  }
0x3bf: {  	[hbm4b:s26+s3] =	stream.linear.scatter [tilespmem:s25], [sflag:$0x4], $0x80, $0x38;
	[tilespmem:$0x9D00] =	vst v63  }
0x3c0: {  	s29 =	sadd.s32 $0x50, s21;
	s30 =	simm.s32 $0x7E30;
	s31 =	sadd.s32 $0x60, s21  }
0x3c1: {  	[hbm4b:s29+s3] =	stream.linear.scatter [tilespmem:s28], [sflag:$0x4], $0x80, $0x38;
	[tilespmem:$0x9D00] =	vst v63  }
0x3c2: {  	s23 =	simm.s32 $0x7EB8;
	s24 =	sadd.s32 $0x70, s21;
	s21 =	sadd.s32 $0x400, s21  }
0x3c3: {  	[hbm4b:s31+s3] =	stream.linear.scatter [tilespmem:s30], [sflag:$0x4], $0x80, $0x38;
	[tilespmem:$0x9D00] =	vst v63  }
.LBB2_9:
0x3c4: {  	[hbm4b:s24+s3] =	stream.linear.scatter [tilespmem:s23], [sflag:$0x4], $0x80, $0x38;
	[tilespmem:$0x9D00] =	vst v63  }
0x3c5: {  	s23 =	smov.u32 s20;
	s20 =	smov.u32 s22  }
0x3c6: {  	s25 =	sadd.s32 $0x1100, s22;
	s20 =	sshra.s32 s20, $0x2;
	s24 =	sadd.s32 $0x7B00, s23  }
0x3c7: {  	[hbm4b:s21+s3] =	stream.linear.scatter [tilespmem:s24], [sflag:$0x4], $0x80, $0x38;
	[tilespmem:$0x9D00] =	vst v63  }
0x3c8: {  	p0 =	sne.s32 s22, $0x7700;
	s22 =	sadd.s32 $0x7B88, s23;
	s24 =	sadd.s32 $0x10, s21  }
0x3c9: {  	[hbm4b:s24+s3] =	stream.linear.scatter [tilespmem:s22], [sflag:$0x4], $0x80, $0x38;
	[tilespmem:$0x9D00] =	vst v63  }
0x3ca: {  	s22 =	sadd.s32 $0x7C10, s23;
	s24 =	sadd.s32 $0x20, s21  }
0x3cb: {  	[hbm4b:s24+s3] =	stream.linear.scatter [tilespmem:s22], [sflag:$0x4], $0x80, $0x38;
	[tilespmem:$0x9D00] =	vst v63  }
0x3cc: {  	s22 =	sadd.s32 $0x7C98, s23;
	s24 =	sadd.s32 $0x30, s21  }
0x3cd: {  	[hbm4b:s24+s3] =	stream.linear.scatter [tilespmem:s22], [sflag:$0x4], $0x80, $0x38;
	[tilespmem:$0x9D00] =	vst v63  }
0x3ce: {  	s22 =	sadd.s32 $0x7D20, s23;
	s24 =	sadd.s32 $0x40, s21  }
0x3cf: {  	[hbm4b:s24+s3] =	stream.linear.scatter [tilespmem:s22], [sflag:$0x4], $0x80, $0x38;
	[tilespmem:$0x9D00] =	vst v63  }
.Ltmp3:
0x3d0: {  	s22 =	sadd.s32 $0x7DA8, s23;
	s24 =	sadd.s32 $0x50, s21;
	(pc) =	sbr.rel @p0 .LBB2_9-.Ltmp3, $4  }
0x3d1: {  	[hbm4b:s24+s3] =	stream.linear.scatter [tilespmem:s22], [sflag:$0x4], $0x80, $0x38;
	[tilespmem:$0x9D00] =	vst v63  }
0x3d2: {  	s22 =	sadd.s32 $0x7E30, s23;
	s24 =	sadd.s32 $0x60, s21;
	s23 =	sadd.s32 $0x7EB8, s23  }
0x3d3: {  	[hbm4b:s24+s3] =	stream.linear.scatter [tilespmem:s22], [sflag:$0x4], $0x80, $0x38;
	[tilespmem:$0x9D00] =	vst v63  }
0x3d4: {  	s24 =	sadd.s32 $0x70, s21;
	s21 =	sadd.s32 $0x400, s21;
	s22 =	smov.u32 s25  }
0x3d5: {  	[hbm4b:s24+s3] =	stream.linear.scatter [tilespmem:s23], [sflag:$0x4], $0x80, $0x38;
	[tilespmem:$0x9D00] =	vst v63  }
0x3d6: {  	s22 =	sadd.s32 $0x7B00, s20  }
0x3d7: {  	[hbm4b:s21+s3] =	stream.linear.scatter [tilespmem:s22], [sflag:$0x4], $0x80, $0x38;
	[tilespmem:$0x9D00] =	vst v63  }
0x3d8: {  	s25 =	sadd.s32 $0x7B88, s20;
	s26 =	sadd.s32 $0x10, s21  }
0x3d9: {  	[hbm4b:s26+s3] =	stream.linear.scatter [tilespmem:s25], [sflag:$0x4], $0x80, $0x38;
	[tilespmem:$0x9D00] =	vst v63  }
0x3da: {  	s28 =	sadd.s32 $0x7C10, s20;
	s29 =	sadd.s32 $0x20, s21  }
0x3db: {  	[hbm4b:s29+s3] =	stream.linear.scatter [tilespmem:s28], [sflag:$0x4], $0x80, $0x38;
	[tilespmem:$0x9D00] =	vst v63  }
0x3dc: {  	s30 =	sadd.s32 $0x7C98, s20;
	s31 =	sadd.s32 $0x30, s21  }
0x3dd: {  	[hbm4b:s31+s3] =	stream.linear.scatter [tilespmem:s30], [sflag:$0x4], $0x80, $0x38;
	[tilespmem:$0x9D00] =	vst v63  }
0x3de: {  	s23 =	sadd.s32 $0x7D20, s20;
	s24 =	sadd.s32 $0x40, s21;
	s19 =	sadd.s32 $0x1, s19  }
0x3df: {  	[hbm4b:s24+s3] =	stream.linear.scatter [tilespmem:s23], [sflag:$0x4], $0x80, $0x38;
	[tilespmem:$0x9D00] =	vst v63  }
0x3e0: {  	p0 =	sne.s32 s19, $0x19;
	s25 =	sadd.s32 $0x7DA8, s20;
	s26 =	sadd.s32 $0x50, s21  }
0x3e1: {  	[hbm4b:s26+s3] =	stream.linear.scatter [tilespmem:s25], [sflag:$0x4], $0x80, $0x38;
	[tilespmem:$0x9D00] =	vst v63  }
.Ltmp4:
0x3e2: {  	_ = 	snop;
	(pc) =	sbr.rel @p0 .LBB2_2-.Ltmp4, $4  }
0x3e3: {  	s28 =	sadd.s32 $0x7E30, s20;
	s29 =	sadd.s32 $0x60, s21  }
0x3e4: {  	[hbm4b:s29+s3] =	stream.linear.scatter [tilespmem:s28], [sflag:$0x4], $0x80, $0x38;
	[tilespmem:$0x9D00] =	vst v63  }
0x3e5: {  	s30 =	sadd.s32 $0x7EB8, s20;
	s31 =	sadd.s32 $0x70, s21  }
0x3e6: {  	[hbm4b:s31+s3] =	stream.linear.scatter [tilespmem:s30], [sflag:$0x4], $0x80, $0x38;
	[tilespmem:$0x9D00] =	vst v63  }
0x3e7: {  	s18 =	sadd.s32 $0x1, s18  }
0x3e8: {  	_ =	swait.ge [sflag:s16], $0x2000;
	p0 =	sne.s32 s18, s7  }
.Ltmp5:
0x3e9: {  	[sflag:s16] =	ssyncset.done $0x0;
	(pc) =	sbr.rel @p0 .LBB2_1-.Ltmp5, $4  }
0x3ea: {  	[sflag:s16] =	ssyncadd.s32 $0xFFFFE000  }
0x3eb: {  	_ =	swait.ge [sflag:s17], $0x2000  }
0x3ec: {  	[sflag:s17] =	ssyncset.done $0x0  }
0x3ed: {  	[sflag:s17] =	ssyncadd.s32 $0xFFFFE000  }
0x3ee: {  	_ =	sfence.sel $0x180000  }
0x3ef: {  	[bflag:$0x0] =	sbarrier.arrive $0xFFFF  }
0x3f0: {  	p0 =	sne.s32 s0, $0x0;
	_ =	strace $0x90000047  }
0x3f1: {  	s0 =	sadd.s32 @!p0 $0x100000, s1;
	[bflag:$0x2] =	sbarrier.arrive $0xFFFF  }
0x3f2: {  	[sflag:s0] =	ssyncadd.tile.s32 @!p0 $0x1;
	_ =	shalt  }
.Lfunc_end2:
_tile_overlayer_lowered:
.L_overlay_start_2:
0x3f3: {  	(tag) =	ssettag $0x2  }
0x3f4: {  	s0 =	rddreg [dreg:$0x0];
	s2 =	stileid.u32  }
0x3f5: {  	s1 =	rddreg [dreg:$0x1];
	p0 =	sne.s32 s2, $0x0  }
0x3f6: {  	s3 =	rddreg [dreg:$0x2];
	[bflag:$0x3] =	sbarrier.arrive $0xFFFF;
	s2 =	simm.s32 @!p0 $0x1C05  }
0x3f7: {  	[timem:s3], [sflag:s2] =	dma.local @!p0 [hbm:s0], s1  }
0x3f8: {  	s0 =	simm.s32 @!p0 $0x5  }
0x3f9: {  	_ =	swait.ge @!p0 [sflag:s0], s1  }
0x3fa: {  	s1 =	ssub.s32 @!p0 $0x0, s1;
	[sflag:s0] =	ssyncset.done @!p0 $0x0  }
0x3fb: {  	[sflag:s0] =	ssyncadd.s32 @!p0 s1  }
0x3fc: {  	[bflag:$0x3] =	sbarrier.arrive $0xFFFF  }
0x3fd: {  	_ =	shalt  }

</sc_bundles>
